<compile_context>
chip_gen: v7x
topology: tpu7x:2x2x1
jax: 0.10.2.dev20260603
libtpu: 0.0.44.dev20260713+nightly
codegen_flags: <defaults>
</compile_context>

<pallas_src>
import math

import jax
import jax.numpy as jnp
from jax import lax
from jax.experimental import pallas as pl
from jax.experimental.pallas import tpu as pltpu
from jax.experimental.pallas import tpu_sc as plsc

KSEL = 8
NRAY = 8
NF = 512
NPTS = 10000
NPAD = 10240
BF = 8
NSEL = NF * NRAY * KSEL
DPAD = 16


def _dist_topk_body(ro_ref, rd_ref, pts_ref, dist_ref, idx_ref):
    px = pts_ref[0:1, :]
    py = pts_ref[1:2, :]
    pz = pts_ref[2:3, :]
    ox = ro_ref[:, 0:1]
    oy = ro_ref[:, 1:2]
    oz = ro_ref[:, 2:3]
    dx = px - ox
    dy = py - oy
    dz = pz - oz
    dnorm = jnp.sqrt((dx * dx + dy * dy) + dz * dz)
    maxd = jnp.maximum(dnorm, 1e-12)
    ux = dx / maxd
    uy = dy / maxd
    uz = dz / maxd
    lane = lax.broadcasted_iota(jnp.int32, (BF, NPAD), 1)
    colmask = lane < NPTS
    big = jnp.int32(2 ** 30)
    for r in range(NRAY):
        a = rd_ref[:, 3 * r:3 * r + 1]
        b = rd_ref[:, 3 * r + 1:3 * r + 2]
        c = rd_ref[:, 3 * r + 2:3 * r + 3]
        nrm = jnp.sqrt((a * a + b * b) + c * c)
        nrm = jnp.maximum(nrm, 1e-12)
        an = a / nrm
        bn = b / nrm
        cn = c / nrm
        cos = (an * ux + bn * uy) + cn * uz
        sinphi = jnp.sqrt(jnp.maximum(1.0 - cos * cos, 1e-12))
        proj = sinphi * dnorm
        proj = jnp.where(cos < 0.866, 1e8, proj)
        p = jnp.where(colmask, proj, jnp.inf)
        dvals = []
        ivals = []
        for k in range(KSEL):
            m = jnp.min(p, axis=1, keepdims=True)
            eqm = p == m
            im = jnp.min(jnp.where(eqm, lane, big), axis=1, keepdims=True)
            dvals.append(m)
            ivals.append(im)
            if k < KSEL - 1:
                p = jnp.where(lane == im, jnp.inf, p)
        dist_ref[:, r, :] = jnp.concatenate(dvals, axis=1)
        idx_ref[:, r, :] = jnp.concatenate(ivals, axis=1)


def _dist_topk(ray_o, ray_d24, pts_t):
    return pl.pallas_call(
        _dist_topk_body,
        grid=(NF // BF,),
        in_specs=[
            pl.BlockSpec((BF, 3), lambda i: (i, 0)),
            pl.BlockSpec((BF, 24), lambda i: (i, 0)),
            pl.BlockSpec((3, NPAD), lambda i: (0, 0)),
        ],
        out_specs=[
            pl.BlockSpec((BF, NRAY, KSEL), lambda i: (i, 0, 0)),
            pl.BlockSpec((BF, NRAY, KSEL), lambda i: (i, 0, 0)),
        ],
        out_shape=[
            jax.ShapeDtypeStruct((NF, NRAY, KSEL), jnp.float32),
            jax.ShapeDtypeStruct((NF, NRAY, KSEL), jnp.int32),
        ],
    )(ray_o, ray_d24, pts_t)


_NC = 2
_NS = 16
_NW = _NC * _NS
_BPW = NSEL // _NW


def _gather_body(pts_hbm, idx_hbm, out_hbm, idx_v, rows_v, sem):
    wid = lax.axis_index("s") * _NC + lax.axis_index("c")
    base = wid * _BPW
    pltpu.sync_copy(idx_hbm.at[pl.ds(base, _BPW)], idx_v)
    pltpu.async_copy(pts_hbm.at[idx_v], rows_v, sem).wait()
    pltpu.sync_copy(rows_v, out_hbm.at[pl.ds(base, _BPW)])


def _gather_sc(pts16, idx_flat):
    return pl.kernel(
        _gather_body,
        out_type=jax.ShapeDtypeStruct((NSEL, DPAD), jnp.float32),
        mesh=plsc.VectorSubcoreMesh(core_axis_name="c", subcore_axis_name="s"),
        scratch_types=[
            pltpu.VMEM((_BPW,), jnp.int32),
            pltpu.VMEM((_BPW, DPAD), jnp.float32),
            pltpu.SemaphoreType.DMA,
        ],
        compiler_params=pltpu.CompilerParams(use_tc_tiling_on_sc=False),
    )(pts16, idx_flat)


def _acos(x):
    a = jnp.abs(x)
    p = jnp.float32(-0.0012624911)
    for coef in (0.0066700901, -0.0170881256, 0.0308918810, -0.0501743046,
                 0.0889789874, -0.2145988016, 1.5707963050):
        p = p * a + jnp.float32(coef)
    r = jnp.sqrt(jnp.maximum(1.0 - a, 0.0)) * p
    return jnp.where(x < 0.0, jnp.float32(math.pi) - r, r)


def _feat_body(gx_ref, gy_ref, gz_ref, ro_ref, dist_ref,
               npd_ref, elev_ref, azim_ref, sky_ref):
    eps = 1e-5
    gx = gx_ref[...] - ro_ref[:, 0:1]
    gy = gy_ref[...] - ro_ref[:, 1:2]
    gz = gz_ref[...] - ro_ref[:, 2:3]
    npd = jnp.sqrt((gx * gx + gy * gy) + gz * gz)
    u1 = gz / (npd + eps)
    elev = _acos(u1)
    sin_elev = jnp.sqrt(jnp.maximum(1.0 - u1 * u1, 0.0))
    az = _acos(gx / (npd * sin_elev + eps))
    az = jnp.where(gy < 0.0, 2.0 * math.pi - az, az)
    npd_ref[...] = npd
    elev_ref[...] = elev
    azim_ref[...] = az
    sky_ref[...] = (dist_ref[...] >= 1e8 - 1).astype(jnp.int32)


def _features(gx, gy, gz, ray_o, dist):
    n = NRAY * KSEL
    return pl.pallas_call(
        _feat_body,
        grid=(1,),
        in_specs=[
            pl.BlockSpec((NF, n), lambda i: (0, 0)),
            pl.BlockSpec((NF, n), lambda i: (0, 0)),
            pl.BlockSpec((NF, n), lambda i: (0, 0)),
            pl.BlockSpec((NF, 3), lambda i: (0, 0)),
            pl.BlockSpec((NF, n), lambda i: (0, 0)),
        ],
        out_specs=[pl.BlockSpec((NF, n), lambda i: (0, 0))] * 4,
        out_shape=[
            jax.ShapeDtypeStruct((NF, n), jnp.float32),
            jax.ShapeDtypeStruct((NF, n), jnp.float32),
            jax.ShapeDtypeStruct((NF, n), jnp.float32),
            jax.ShapeDtypeStruct((NF, n), jnp.int32),
        ],
    )(gx, gy, gz, ray_o, dist)


def kernel(ray_o, ray_d, pts):
    ray_d24 = ray_d.reshape(NF, NRAY * 3)
    pts_t = jnp.pad(pts.T, ((0, 0), (0, NPAD - NPTS)))
    dist, idx = _dist_topk(ray_o, ray_d24, pts_t)

    pts16 = jnp.pad(pts, ((0, 0), (0, DPAD - 3)))
    rows = _gather_sc(pts16, idx.reshape(NSEL))

    g = rows[:, :3].reshape(NF, NRAY * KSEL, 3)
    npd, elev, azim, sky = _features(
        g[:, :, 0], g[:, :, 1], g[:, :, 2], ray_o,
        dist.reshape(NF, NRAY * KSEL))

    shp = (NF, NRAY, KSEL, 1)
    return (dist, idx, sky.astype(bool).reshape(NF, NRAY, KSEL),
            npd.reshape(shp), elev.reshape(shp), azim.reshape(shp))

# --- scband reference (transcript-rebuilt; emitter-appended) ---
"""Pipeline reference for scband-ray-sampler-25177098289575 (READ-ONLY COPY).

The authoritative reference and input builder live on the scoring server;
editing this copy changes nothing except your own understanding.
"""

import jax, jax.numpy as jnp
import numpy as np
import math

K_CLOSEST = 8

def setup_inputs(seed: int = 0) -> dict:
    key = jax.random.key(seed)
    k1, k2, k3 = jax.random.split(key, 3)
    ray_o = jax.random.normal(k1, (512, 3), dtype=jnp.float32) * 10.0
    ray_d = jax.random.normal(k2, (512, 8, 3), dtype=jnp.float32)
    pts = jax.random.normal(k3, (10000, 3), dtype=jnp.float32) * 50.0
    return {"ray_o": ray_o, "ray_d": ray_d, "pts": pts}

def reference(ray_o, ray_d, pts):
    # Faithful translation of RaySampler.Initialization core (ablation, rx->pts branch):
    # project every point onto every ray, mask points outside a 30-degree cone,
    # take K_closest smallest projected distances, gather those points, and
    # compute distance / elevation / azimuth features.
    eps = 1e-05
    K = K_CLOSEST
    FTR = ray_o.shape[0]
    n_rays = ray_d.shape[1]
    # ray_d in the original is built from unit sphere samples / angles -> unit norm
    ray_d = ray_d / jnp.maximum(jnp.linalg.norm(ray_d, axis=-1, keepdims=True), 1e-12)
    # diff: [FTR, 1, n_pts, 3]  (pts[None,:,:,:] - ray_o[:,:,None,:] in torch)
    diff = pts[None, None, :, :] - ray_o[:, None, None, :]
    dnorm = jnp.linalg.norm(diff, axis=-1)  # [FTR, 1, n_pts]
    unit = diff / jnp.maximum(dnorm[..., None], 1e-12)  # F.normalize
    # cosphi: [FTR, n_rays, n_pts]
    cosphi = jnp.sum(ray_d[:, :, None, :] * unit, axis=-1)
    sinphi = jnp.sqrt(jnp.clip(1.0 - cosphi * cosphi, 1e-12, None))
    proj = sinphi * dnorm
    proj = jnp.where(cosphi < 0.866, 1e8, proj)
    # torch.topk(largest=False) == negate + lax.top_k, ascending order
    neg_vals, nearest_idx = jax.lax.top_k(-proj, K)
    nearest_dist = -neg_vals  # [FTR, n_rays, K]
    hit_sky = nearest_dist >= (1e8 - 1)
    # gather nearest points relative to ray origin
    gathered = pts[nearest_idx] - ray_o[:, None, None, :]  # [FTR, n_rays, K, 3]
    npd = jnp.linalg.norm(gathered, axis=-1)[..., None]  # nearest_pts_distance
    elev = jnp.arccos(gathered[..., 2:3] / (npd + eps))
    azim = jnp.arccos(gathered[..., 0:1] / (npd * jnp.sin(elev) + eps))
    azim = jnp.where(gathered[..., 1:2] < 0.0, 2.0 * math.pi - azim, azim)
    return nearest_dist, nearest_idx, hit_sky, npd, elev, azim

if __name__ == "__main__":
    import jax
    _d = setup_inputs()
    print(jax.jit(kernel)(*tuple(_d.values())))

</pallas_src>

<mosaic_0001>
#map = affine_map<(d0, d1) -> (0, 0)>
#map1 = affine_map<(d0, d1) -> (0)>
module attributes {stable_mosaic.version = 14 : i64} {
  func.func @_gather_body(%arg0: i32, %arg1: i32, %arg2: memref<10000x16xf32, #tpu.memory_space<hbm>>, %arg3: memref<32768xi32, #tpu.memory_space<hbm>>, %arg4: memref<32768x16xf32, #tpu.memory_space<hbm>>, %arg5: memref<1024xi32, #tpu.memory_space<vmem>>, %arg6: memref<1024x16xf32, #tpu.memory_space<vmem>>, %arg7: memref<!tpu.dma_semaphore, #tpu.memory_space<semaphore_mem>>) attributes {dimension_semantics = [#tpu.dimension_semantics<core_parallel>, #tpu.dimension_semantics<subcore_parallel>], iteration_bounds = array<i64: 2, 16>, scalar_prefetch = 0 : i64, scratch_operands = 3 : i64, tpu.core_type = #tpu.core_type<sc_vector_subcore>, window_params = [{transform_indices = #map}, {transform_indices = #map1}, {transform_indices = #map}]} {
    %mul3A = arith.constant 2 : i32
    %mul3A_0 = arith.muli %arg1, %mul3A : i32
    %add3A = arith.addi %mul3A_0, %arg0 : i32
    %mul3A_1 = arith.constant 1024 : i32
    %mul3A_2 = arith.muli %add3A, %mul3A_1 : i32
    "tpu.region"() ({
      %run_scoped3A = tpu.sem_alloc : memref<!tpu.dma_semaphore, #tpu.memory_space<semaphore_mem>>
      %dma_start3A_7 = tpu.memref_slice %arg3[%mul3A_2] : memref<32768xi32, #tpu.memory_space<hbm>> -> memref<1024xi32, #tpu.memory_space<hbm>>
      %dma_start3A_8 = tpu.memref_slice %arg3[%mul3A_2] : memref<32768xi32, #tpu.memory_space<hbm>> -> memref<1024xi32, #tpu.memory_space<hbm>>
      tpu.enqueue_dma source(%dma_start3A_8 : memref<1024xi32, #tpu.memory_space<hbm>>) target(%arg5 : memref<1024xi32, #tpu.memory_space<vmem>>) target_semaphore(%run_scoped3A : memref<!tpu.dma_semaphore, #tpu.memory_space<semaphore_mem>>)
      %dma_wait3A_9 = tpu.memref_slice %arg3[%mul3A_2] : memref<32768xi32, #tpu.memory_space<hbm>> -> memref<1024xi32, #tpu.memory_space<hbm>>
      %dma_wait3A_10 = tpu.memref_slice %arg3[%mul3A_2] : memref<32768xi32, #tpu.memory_space<hbm>> -> memref<1024xi32, #tpu.memory_space<hbm>>
      tpu.wait_dma2 semaphore(%run_scoped3A : memref<!tpu.dma_semaphore, #tpu.memory_space<semaphore_mem>>) src(%dma_wait3A_10 : memref<1024xi32, #tpu.memory_space<hbm>>) dst(%arg5 : memref<1024xi32, #tpu.memory_space<vmem>>)
      tpu.yield
    }) : () -> ()
    %dma_start3A = arith.constant 0 : i32
    %dma_start3A_3 = arith.constant 0 : i32
    %dma_start3A_4 = tpu.memref_slice %arg2[%dma_start3A, %dma_start3A_3] : memref<10000x16xf32, #tpu.memory_space<hbm>> -> memref<10000x16xf32, #tpu.memory_space<hbm>>
    tpu.enqueue_indirect_dma source(%dma_start3A_4 : memref<10000x16xf32, #tpu.memory_space<hbm>>) target(%arg6 : memref<1024x16xf32, #tpu.memory_space<vmem>>) offsets(%arg5 : memref<1024xi32, #tpu.memory_space<vmem>>) semaphore(%arg7 : memref<!tpu.dma_semaphore, #tpu.memory_space<semaphore_mem>>)
    %dma_wait3A = arith.constant 0 : i32
    %dma_wait3A_5 = arith.constant 0 : i32
    %dma_wait3A_6 = tpu.memref_slice %arg2[%dma_wait3A, %dma_wait3A_5] : memref<10000x16xf32, #tpu.memory_space<hbm>> -> memref<10000x16xf32, #tpu.memory_space<hbm>>
    tpu.wait_indirect_dma semaphore(%arg7 : memref<!tpu.dma_semaphore, #tpu.memory_space<semaphore_mem>>) src(%dma_wait3A_6 : memref<10000x16xf32, #tpu.memory_space<hbm>>) dst(%arg6 : memref<1024x16xf32, #tpu.memory_space<vmem>>)
    "tpu.region"() ({
      %run_scoped3A = tpu.sem_alloc : memref<!tpu.dma_semaphore, #tpu.memory_space<semaphore_mem>>
      %dma_start3A_7 = arith.constant 0 : i32
      %dma_start3A_8 = tpu.memref_slice %arg4[%mul3A_2, %dma_start3A_7] : memref<32768x16xf32, #tpu.memory_space<hbm>> -> memref<1024x16xf32, #tpu.memory_space<hbm>>
      %dma_start3A_9 = arith.constant 0 : i32
      %dma_start3A_10 = tpu.memref_slice %arg4[%mul3A_2, %dma_start3A_9] : memref<32768x16xf32, #tpu.memory_space<hbm>> -> memref<1024x16xf32, #tpu.memory_space<hbm>>
      tpu.enqueue_dma source(%arg6 : memref<1024x16xf32, #tpu.memory_space<vmem>>) target(%dma_start3A_10 : memref<1024x16xf32, #tpu.memory_space<hbm>>) target_semaphore(%run_scoped3A : memref<!tpu.dma_semaphore, #tpu.memory_space<semaphore_mem>>)
      %dma_wait3A_11 = arith.constant 0 : i32
      %dma_wait3A_12 = tpu.memref_slice %arg4[%mul3A_2, %dma_wait3A_11] : memref<32768x16xf32, #tpu.memory_space<hbm>> -> memref<1024x16xf32, #tpu.memory_space<hbm>>
      %dma_wait3A_13 = arith.constant 0 : i32
      %dma_wait3A_14 = tpu.memref_slice %arg4[%mul3A_2, %dma_wait3A_13] : memref<32768x16xf32, #tpu.memory_space<hbm>> -> memref<1024x16xf32, #tpu.memory_space<hbm>>
      tpu.wait_dma2 semaphore(%run_scoped3A : memref<!tpu.dma_semaphore, #tpu.memory_space<semaphore_mem>>) src(%arg6 : memref<1024x16xf32, #tpu.memory_space<vmem>>) dst(%dma_wait3A_14 : memref<1024x16xf32, #tpu.memory_space<hbm>>)
      tpu.yield
    }) : () -> ()
    return
  }
}

module attributes {stable_mosaic.version = 14 : i64} {
  func.func @_dist_topk_body(%arg0: i32, %arg1: memref<8x3xf32, #tpu.memory_space<vmem>>, %arg2: memref<8x24xf32, #tpu.memory_space<vmem>>, %arg3: memref<3x10240xf32, #tpu.memory_space<vmem>>, %arg4: memref<8x8x8xf32, #tpu.memory_space<vmem>>, %arg5: memref<8x8x8xi32, #tpu.memory_space<vmem>>) attributes {dimension_semantics = [#tpu.dimension_semantics<arbitrary>], iteration_bounds = array<i64: 64>, scalar_prefetch = 0 : i64, scratch_operands = 0 : i64, tpu.core_type = #tpu.core_type<tc>, window_params = [{transform_indices = @transform_0, window_bounds = array<i64: 8, 3>}, {transform_indices = @transform_1, window_bounds = array<i64: 8, 24>}, {pipeline_mode = #tpu.pipeline_mode<synchronous>, transform_indices = @transform_2, window_bounds = array<i64: 3, 10240>}, {transform_indices = @transform_3, window_bounds = array<i64: 8, 8, 8>}, {transform_indices = @transform_4, window_bounds = array<i64: 8, 8, 8>}]} {
    %get3A = arith.constant 0 : index
    %get3A_0 = arith.constant 0 : index
    %get3A_1 = vector.load %arg3[%get3A, %get3A_0] : memref<3x10240xf32, #tpu.memory_space<vmem>>, vector<1x10240xf32>
    %get3A_2 = arith.constant 1 : index
    %get3A_3 = arith.constant 0 : index
    %get3A_4 = vector.load %arg3[%get3A_2, %get3A_3] : memref<3x10240xf32, #tpu.memory_space<vmem>>, vector<1x10240xf32>
    %get3A_5 = arith.constant 2 : index
    %get3A_6 = arith.constant 0 : index
    %get3A_7 = vector.load %arg3[%get3A_5, %get3A_6] : memref<3x10240xf32, #tpu.memory_space<vmem>>, vector<1x10240xf32>
    %get3A_8 = arith.constant 0 : index
    %get3A_9 = arith.constant 0 : index
    %get3A_10 = vector.load %arg1[%get3A_8, %get3A_9] : memref<8x3xf32, #tpu.memory_space<vmem>>, vector<8x1xf32>
    %get3A_11 = arith.constant 0 : index
    %get3A_12 = arith.constant 1 : index
    %get3A_13 = vector.load %arg1[%get3A_11, %get3A_12] : memref<8x3xf32, #tpu.memory_space<vmem>>, vector<8x1xf32>
    %get3A_14 = arith.constant 0 : index
    %get3A_15 = arith.constant 2 : index
    %get3A_16 = vector.load %arg1[%get3A_14, %get3A_15] : memref<8x3xf32, #tpu.memory_space<vmem>>, vector<8x1xf32>
    %sub3A = vector.broadcast %get3A_1 : vector<1x10240xf32> to vector<8x10240xf32>
    %sub3A_17 = vector.broadcast %get3A_10 : vector<8x1xf32> to vector<8x10240xf32>
    %sub3A_18 = arith.subf %sub3A, %sub3A_17 : vector<8x10240xf32>
    %sub3A_19 = vector.broadcast %get3A_4 : vector<1x10240xf32> to vector<8x10240xf32>
    %sub3A_20 = vector.broadcast %get3A_13 : vector<8x1xf32> to vector<8x10240xf32>
    %sub3A_21 = arith.subf %sub3A_19, %sub3A_20 : vector<8x10240xf32>
    %sub3A_22 = vector.broadcast %get3A_7 : vector<1x10240xf32> to vector<8x10240xf32>
    %sub3A_23 = vector.broadcast %get3A_16 : vector<8x1xf32> to vector<8x10240xf32>
    %sub3A_24 = arith.subf %sub3A_22, %sub3A_23 : vector<8x10240xf32>
    %mul3A = arith.mulf %sub3A_18, %sub3A_18 : vector<8x10240xf32>
    %mul3A_25 = arith.mulf %sub3A_21, %sub3A_21 : vector<8x10240xf32>
    %add3A = arith.addf %mul3A, %mul3A_25 : vector<8x10240xf32>
    %mul3A_26 = arith.mulf %sub3A_24, %sub3A_24 : vector<8x10240xf32>
    %add3A_27 = arith.addf %add3A, %mul3A_26 : vector<8x10240xf32>
    %sqrt3A = math.sqrt %add3A_27 : vector<8x10240xf32>
    %max3A = arith.constant 9.99999996E-13 : f32
    %max3A_28 = vector.broadcast %max3A : f32 to vector<8x10240xf32>
    %max3A_29 = arith.maximumf %sqrt3A, %max3A_28 : vector<8x10240xf32>
    %div3A = arith.divf %sub3A_18, %max3A_29 : vector<8x10240xf32>
    %div3A_30 = arith.divf %sub3A_21, %max3A_29 : vector<8x10240xf32>
    %div3A_31 = arith.divf %sub3A_24, %max3A_29 : vector<8x10240xf32>
    %iota3A = tpu.iota {dimensions = array<i32: 1>} : vector<8x10240xi32>
    %lt3A = arith.constant 10000 : i32
    %lt3A_32 = vector.broadcast %lt3A : i32 to vector<8x10240xi32>
    %lt3A_33 = arith.cmpi slt, %iota3A, %lt3A_32 : vector<8x10240xi32>
    %get3A_34 = arith.constant 0 : index
    %get3A_35 = arith.constant 0 : index
    %get3A_36 = vector.load %arg2[%get3A_34, %get3A_35] : memref<8x24xf32, #tpu.memory_space<vmem>>, vector<8x1xf32>
    %get3A_37 = arith.constant 0 : index
    %get3A_38 = arith.constant 1 : index
    %get3A_39 = vector.load %arg2[%get3A_37, %get3A_38] : memref<8x24xf32, #tpu.memory_space<vmem>>, vector<8x1xf32>
    %get3A_40 = arith.constant 0 : index
    %get3A_41 = arith.constant 2 : index
    %get3A_42 = vector.load %arg2[%get3A_40, %get3A_41] : memref<8x24xf32, #tpu.memory_space<vmem>>, vector<8x1xf32>
    %mul3A_43 = arith.mulf %get3A_36, %get3A_36 : vector<8x1xf32>
    %mul3A_44 = arith.mulf %get3A_39, %get3A_39 : vector<8x1xf32>
    %add3A_45 = arith.addf %mul3A_43, %mul3A_44 : vector<8x1xf32>
    %mul3A_46 = arith.mulf %get3A_42, %get3A_42 : vector<8x1xf32>
    %add3A_47 = arith.addf %add3A_45, %mul3A_46 : vector<8x1xf32>
    %sqrt3A_48 = math.sqrt %add3A_47 : vector<8x1xf32>
    %max3A_49 = arith.constant 9.99999996E-13 : f32
    %max3A_50 = vector.broadcast %max3A_49 : f32 to vector<8x1xf32>
    %max3A_51 = arith.maximumf %sqrt3A_48, %max3A_50 : vector<8x1xf32>
    %div3A_52 = arith.divf %get3A_36, %max3A_51 : vector<8x1xf32>
    %div3A_53 = arith.divf %get3A_39, %max3A_51 : vector<8x1xf32>
    %div3A_54 = arith.divf %get3A_42, %max3A_51 : vector<8x1xf32>
    %mul3A_55 = vector.broadcast %div3A_52 : vector<8x1xf32> to vector<8x10240xf32>
    %mul3A_56 = arith.mulf %mul3A_55, %div3A : vector<8x10240xf32>
    %mul3A_57 = vector.broadcast %div3A_53 : vector<8x1xf32> to vector<8x10240xf32>
    %mul3A_58 = arith.mulf %mul3A_57, %div3A_30 : vector<8x10240xf32>
    %add3A_59 = arith.addf %mul3A_56, %mul3A_58 : vector<8x10240xf32>
    %mul3A_60 = vector.broadcast %div3A_54 : vector<8x1xf32> to vector<8x10240xf32>
    %mul3A_61 = arith.mulf %mul3A_60, %div3A_31 : vector<8x10240xf32>
    %add3A_62 = arith.addf %add3A_59, %mul3A_61 : vector<8x10240xf32>
    %mul3A_63 = arith.mulf %add3A_62, %add3A_62 : vector<8x10240xf32>
    %sub3A_64 = arith.constant 1.000000e+00 : f32
    %sub3A_65 = vector.broadcast %sub3A_64 : f32 to vector<8x10240xf32>
    %sub3A_66 = arith.subf %sub3A_65, %mul3A_63 : vector<8x10240xf32>
    %max3A_67 = arith.constant 9.99999996E-13 : f32
    %max3A_68 = vector.broadcast %max3A_67 : f32 to vector<8x10240xf32>
    %max3A_69 = arith.maximumf %sub3A_66, %max3A_68 : vector<8x10240xf32>
    %sqrt3A_70 = math.sqrt %max3A_69 : vector<8x10240xf32>
    %mul3A_71 = arith.mulf %sqrt3A_70, %sqrt3A : vector<8x10240xf32>
    %lt3A_72 = arith.constant 0.865999996 : f32
    %lt3A_73 = vector.broadcast %lt3A_72 : f32 to vector<8x10240xf32>
    %lt3A_74 = arith.cmpf olt, %add3A_62, %lt3A_73 : vector<8x10240xf32>
    %jit3A = arith.constant 1.000000e+08 : f32
    %broadcast_in_dim3A = vector.broadcast %jit3A : f32 to vector<8x10240xf32>
    %select_n3A = arith.select %lt3A_74, %broadcast_in_dim3A, %mul3A_71 : vector<8x10240xi1>, vector<8x10240xf32>
    %jit3A_75 = arith.constant 0x7F800000 : f32
    %broadcast_in_dim3A_76 = vector.broadcast %jit3A_75 : f32 to vector<8x10240xf32>
    %select_n3A_77 = arith.select %lt3A_33, %select_n3A, %broadcast_in_dim3A_76 : vector<8x10240xi1>, vector<8x10240xf32>
    %reduce_min3A = arith.constant dense<0x7F800000> : vector<8xf32>
    %reduce_min3A_78 = vector.multi_reduction <minimumf>, %select_n3A_77, %reduce_min3A [1] : vector<8x10240xf32> to vector<8xf32>
    %broadcast_in_dim3A_79 = vector.shape_cast %reduce_min3A_78 : vector<8xf32> to vector<8x1xf32>
    %eq3A = vector.broadcast %broadcast_in_dim3A_79 : vector<8x1xf32> to vector<8x10240xf32>
    %eq3A_80 = arith.cmpf oeq, %select_n3A_77, %eq3A : vector<8x10240xf32>
    %jit3A_81 = arith.constant 1073741824 : i32
    %broadcast_in_dim3A_82 = vector.broadcast %jit3A_81 : i32 to vector<8x10240xi32>
    %select_n3A_83 = arith.select %eq3A_80, %iota3A, %broadcast_in_dim3A_82 : vector<8x10240xi1>, vector<8x10240xi32>
    %reduce_min3A_84 = arith.constant dense<2147483647> : vector<8xi32>
    %reduce_min3A_85 = vector.multi_reduction <minsi>, %select_n3A_83, %reduce_min3A_84 [1] : vector<8x10240xi32> to vector<8xi32>
    %broadcast_in_dim3A_86 = vector.shape_cast %reduce_min3A_85 : vector<8xi32> to vector<8x1xi32>
    %eq3A_87 = vector.broadcast %broadcast_in_dim3A_86 : vector<8x1xi32> to vector<8x10240xi32>
    %eq3A_88 = arith.cmpi eq, %iota3A, %eq3A_87 : vector<8x10240xi32>
    %jit3A_89 = arith.constant 0x7F800000 : f32
    %broadcast_in_dim3A_90 = vector.broadcast %jit3A_89 : f32 to vector<8x10240xf32>
    %select_n3A_91 = arith.select %eq3A_88, %broadcast_in_dim3A_90, %select_n3A_77 : vector<8x10240xi1>, vector<8x10240xf32>
    %reduce_min3A_92 = arith.constant dense<0x7F800000> : vector<8xf32>
    %reduce_min3A_93 = vector.multi_reduction <minimumf>, %select_n3A_91, %reduce_min3A_92 [1] : vector<8x10240xf32> to vector<8xf32>
    %broadcast_in_dim3A_94 = vector.shape_cast %reduce_min3A_93 : vector<8xf32> to vector<8x1xf32>
    %eq3A_95 = vector.broadcast %broadcast_in_dim3A_94 : vector<8x1xf32> to vector<8x10240xf32>
    %eq3A_96 = arith.cmpf oeq, %select_n3A_91, %eq3A_95 : vector<8x10240xf32>
    %jit3A_97 = arith.constant 1073741824 : i32
    %broadcast_in_dim3A_98 = vector.broadcast %jit3A_97 : i32 to vector<8x10240xi32>
    %select_n3A_99 = arith.select %eq3A_96, %iota3A, %broadcast_in_dim3A_98 : vector<8x10240xi1>, vector<8x10240xi32>
    %reduce_min3A_100 = arith.constant dense<2147483647> : vector<8xi32>
    %reduce_min3A_101 = vector.multi_reduction <minsi>, %select_n3A_99, %reduce_min3A_100 [1] : vector<8x10240xi32> to vector<8xi32>
    %broadcast_in_dim3A_102 = vector.shape_cast %reduce_min3A_101 : vector<8xi32> to vector<8x1xi32>
    %eq3A_103 = vector.broadcast %broadcast_in_dim3A_102 : vector<8x1xi32> to vector<8x10240xi32>
    %eq3A_104 = arith.cmpi eq, %iota3A, %eq3A_103 : vector<8x10240xi32>
    %jit3A_105 = arith.constant 0x7F800000 : f32
    %broadcast_in_dim3A_106 = vector.broadcast %jit3A_105 : f32 to vector<8x10240xf32>
    %select_n3A_107 = arith.select %eq3A_104, %broadcast_in_dim3A_106, %select_n3A_91 : vector<8x10240xi1>, vector<8x10240xf32>
    %reduce_min3A_108 = arith.constant dense<0x7F800000> : vector<8xf32>
    %reduce_min3A_109 = vector.multi_reduction <minimumf>, %select_n3A_107, %reduce_min3A_108 [1] : vector<8x10240xf32> to vector<8xf32>
    %broadcast_in_dim3A_110 = vector.shape_cast %reduce_min3A_109 : vector<8xf32> to vector<8x1xf32>
    %eq3A_111 = vector.broadcast %broadcast_in_dim3A_110 : vector<8x1xf32> to vector<8x10240xf32>
    %eq3A_112 = arith.cmpf oeq, %select_n3A_107, %eq3A_111 : vector<8x10240xf32>
    %jit3A_113 = arith.constant 1073741824 : i32
    %broadcast_in_dim3A_114 = vector.broadcast %jit3A_113 : i32 to vector<8x10240xi32>
    %select_n3A_115 = arith.select %eq3A_112, %iota3A, %broadcast_in_dim3A_114 : vector<8x10240xi1>, vector<8x10240xi32>
    %reduce_min3A_116 = arith.constant dense<2147483647> : vector<8xi32>
    %reduce_min3A_117 = vector.multi_reduction <minsi>, %select_n3A_115, %reduce_min3A_116 [1] : vector<8x10240xi32> to vector<8xi32>
    %broadcast_in_dim3A_118 = vector.shape_cast %reduce_min3A_117 : vector<8xi32> to vector<8x1xi32>
    %eq3A_119 = vector.broadcast %broadcast_in_dim3A_118 : vector<8x1xi32> to vector<8x10240xi32>
    %eq3A_120 = arith.cmpi eq, %iota3A, %eq3A_119 : vector<8x10240xi32>
    %jit3A_121 = arith.constant 0x7F800000 : f32
    %broadcast_in_dim3A_122 = vector.broadcast %jit3A_121 : f32 to vector<8x10240xf32>
    %select_n3A_123 = arith.select %eq3A_120, %broadcast_in_dim3A_122, %select_n3A_107 : vector<8x10240xi1>, vector<8x10240xf32>
    %reduce_min3A_124 = arith.constant dense<0x7F800000> : vector<8xf32>
    %reduce_min3A_125 = vector.multi_reduction <minimumf>, %select_n3A_123, %reduce_min3A_124 [1] : vector<8x10240xf32> to vector<8xf32>
    %broadcast_in_dim3A_126 = vector.shape_cast %reduce_min3A_125 : vector<8xf32> to vector<8x1xf32>
    %eq3A_127 = vector.broadcast %broadcast_in_dim3A_126 : vector<8x1xf32> to vector<8x10240xf32>
    %eq3A_128 = arith.cmpf oeq, %select_n3A_123, %eq3A_127 : vector<8x10240xf32>
    %jit3A_129 = arith.constant 1073741824 : i32
    %broadcast_in_dim3A_130 = vector.broadcast %jit3A_129 : i32 to vector<8x10240xi32>
    %select_n3A_131 = arith.select %eq3A_128, %iota3A, %broadcast_in_dim3A_130 : vector<8x10240xi1>, vector<8x10240xi32>
    %reduce_min3A_132 = arith.constant dense<2147483647> : vector<8xi32>
    %reduce_min3A_133 = vector.multi_reduction <minsi>, %select_n3A_131, %reduce_min3A_132 [1] : vector<8x10240xi32> to vector<8xi32>
    %broadcast_in_dim3A_134 = vector.shape_cast %reduce_min3A_133 : vector<8xi32> to vector<8x1xi32>
    %eq3A_135 = vector.broadcast %broadcast_in_dim3A_134 : vector<8x1xi32> to vector<8x10240xi32>
    %eq3A_136 = arith.cmpi eq, %iota3A, %eq3A_135 : vector<8x10240xi32>
    %jit3A_137 = arith.constant 0x7F800000 : f32
    %broadcast_in_dim3A_138 = vector.broadcast %jit3A_137 : f32 to vector<8x10240xf32>
    %select_n3A_139 = arith.select %eq3A_136, %broadcast_in_dim3A_138, %select_n3A_123 : vector<8x10240xi1>, vector<8x10240xf32>
    %reduce_min3A_140 = arith.constant dense<0x7F800000> : vector<8xf32>
    %reduce_min3A_141 = vector.multi_reduction <minimumf>, %select_n3A_139, %reduce_min3A_140 [1] : vector<8x10240xf32> to vector<8xf32>
    %broadcast_in_dim3A_142 = vector.shape_cast %reduce_min3A_141 : vector<8xf32> to vector<8x1xf32>
    %eq3A_143 = vector.broadcast %broadcast_in_dim3A_142 : vector<8x1xf32> to vector<8x10240xf32>
    %eq3A_144 = arith.cmpf oeq, %select_n3A_139, %eq3A_143 : vector<8x10240xf32>
    %jit3A_145 = arith.constant 1073741824 : i32
    %broadcast_in_dim3A_146 = vector.broadcast %jit3A_145 : i32 to vector<8x10240xi32>
    %select_n3A_147 = arith.select %eq3A_144, %iota3A, %broadcast_in_dim3A_146 : vector<8x10240xi1>, vector<8x10240xi32>
    %reduce_min3A_148 = arith.constant dense<2147483647> : vector<8xi32>
    %reduce_min3A_149 = vector.multi_reduction <minsi>, %select_n3A_147, %reduce_min3A_148 [1] : vector<8x10240xi32> to vector<8xi32>
    %broadcast_in_dim3A_150 = vector.shape_cast %reduce_min3A_149 : vector<8xi32> to vector<8x1xi32>
    %eq3A_151 = vector.broadcast %broadcast_in_dim3A_150 : vector<8x1xi32> to vector<8x10240xi32>
    %eq3A_152 = arith.cmpi eq, %iota3A, %eq3A_151 : vector<8x10240xi32>
    %jit3A_153 = arith.constant 0x7F800000 : f32
    %broadcast_in_dim3A_154 = vector.broadcast %jit3A_153 : f32 to vector<8x10240xf32>
    %select_n3A_155 = arith.select %eq3A_152, %broadcast_in_dim3A_154, %select_n3A_139 : vector<8x10240xi1>, vector<8x10240xf32>
    %reduce_min3A_156 = arith.constant dense<0x7F800000> : vector<8xf32>
    %reduce_min3A_157 = vector.multi_reduction <minimumf>, %select_n3A_155, %reduce_min3A_156 [1] : vector<8x10240xf32> to vector<8xf32>
    %broadcast_in_dim3A_158 = vector.shape_cast %reduce_min3A_157 : vector<8xf32> to vector<8x1xf32>
    %eq3A_159 = vector.broadcast %broadcast_in_dim3A_158 : vector<8x1xf32> to vector<8x10240xf32>
    %eq3A_160 = arith.cmpf oeq, %select_n3A_155, %eq3A_159 : vector<8x10240xf32>
    %jit3A_161 = arith.constant 1073741824 : i32
    %broadcast_in_dim3A_162 = vector.broadcast %jit3A_161 : i32 to vector<8x10240xi32>
    %select_n3A_163 = arith.select %eq3A_160, %iota3A, %broadcast_in_dim3A_162 : vector<8x10240xi1>, vector<8x10240xi32>
    %reduce_min3A_164 = arith.constant dense<2147483647> : vector<8xi32>
    %reduce_min3A_165 = vector.multi_reduction <minsi>, %select_n3A_163, %reduce_min3A_164 [1] : vector<8x10240xi32> to vector<8xi32>
    %broadcast_in_dim3A_166 = vector.shape_cast %reduce_min3A_165 : vector<8xi32> to vector<8x1xi32>
    %eq3A_167 = vector.broadcast %broadcast_in_dim3A_166 : vector<8x1xi32> to vector<8x10240xi32>
    %eq3A_168 = arith.cmpi eq, %iota3A, %eq3A_167 : vector<8x10240xi32>
    %jit3A_169 = arith.constant 0x7F800000 : f32
    %broadcast_in_dim3A_170 = vector.broadcast %jit3A_169 : f32 to vector<8x10240xf32>
    %select_n3A_171 = arith.select %eq3A_168, %broadcast_in_dim3A_170, %select_n3A_155 : vector<8x10240xi1>, vector<8x10240xf32>
    %reduce_min3A_172 = arith.constant dense<0x7F800000> : vector<8xf32>
    %reduce_min3A_173 = vector.multi_reduction <minimumf>, %select_n3A_171, %reduce_min3A_172 [1] : vector<8x10240xf32> to vector<8xf32>
    %broadcast_in_dim3A_174 = vector.shape_cast %reduce_min3A_173 : vector<8xf32> to vector<8x1xf32>
    %eq3A_175 = vector.broadcast %broadcast_in_dim3A_174 : vector<8x1xf32> to vector<8x10240xf32>
    %eq3A_176 = arith.cmpf oeq, %select_n3A_171, %eq3A_175 : vector<8x10240xf32>
    %jit3A_177 = arith.constant 1073741824 : i32
    %broadcast_in_dim3A_178 = vector.broadcast %jit3A_177 : i32 to vector<8x10240xi32>
    %select_n3A_179 = arith.select %eq3A_176, %iota3A, %broadcast_in_dim3A_178 : vector<8x10240xi1>, vector<8x10240xi32>
    %reduce_min3A_180 = arith.constant dense<2147483647> : vector<8xi32>
    %reduce_min3A_181 = vector.multi_reduction <minsi>, %select_n3A_179, %reduce_min3A_180 [1] : vector<8x10240xi32> to vector<8xi32>
    %broadcast_in_dim3A_182 = vector.shape_cast %reduce_min3A_181 : vector<8xi32> to vector<8x1xi32>
    %eq3A_183 = vector.broadcast %broadcast_in_dim3A_182 : vector<8x1xi32> to vector<8x10240xi32>
    %eq3A_184 = arith.cmpi eq, %iota3A, %eq3A_183 : vector<8x10240xi32>
    %jit3A_185 = arith.constant 0x7F800000 : f32
    %broadcast_in_dim3A_186 = vector.broadcast %jit3A_185 : f32 to vector<8x10240xf32>
    %select_n3A_187 = arith.select %eq3A_184, %broadcast_in_dim3A_186, %select_n3A_171 : vector<8x10240xi1>, vector<8x10240xf32>
    %reduce_min3A_188 = arith.constant dense<0x7F800000> : vector<8xf32>
    %reduce_min3A_189 = vector.multi_reduction <minimumf>, %select_n3A_187, %reduce_min3A_188 [1] : vector<8x10240xf32> to vector<8xf32>
    %broadcast_in_dim3A_190 = vector.shape_cast %reduce_min3A_189 : vector<8xf32> to vector<8x1xf32>
    %eq3A_191 = vector.broadcast %broadcast_in_dim3A_190 : vector<8x1xf32> to vector<8x10240xf32>
    %eq3A_192 = arith.cmpf oeq, %select_n3A_187, %eq3A_191 : vector<8x10240xf32>
    %jit3A_193 = arith.constant 1073741824 : i32
    %broadcast_in_dim3A_194 = vector.broadcast %jit3A_193 : i32 to vector<8x10240xi32>
    %select_n3A_195 = arith.select %eq3A_192, %iota3A, %broadcast_in_dim3A_194 : vector<8x10240xi1>, vector<8x10240xi32>
    %reduce_min3A_196 = arith.constant dense<2147483647> : vector<8xi32>
    %reduce_min3A_197 = vector.multi_reduction <minsi>, %select_n3A_195, %reduce_min3A_196 [1] : vector<8x10240xi32> to vector<8xi32>
    %broadcast_in_dim3A_198 = vector.shape_cast %reduce_min3A_197 : vector<8xi32> to vector<8x1xi32>
    %concatenate3A = tpu.concatenate %broadcast_in_dim3A_79, %broadcast_in_dim3A_94, %broadcast_in_dim3A_110, %broadcast_in_dim3A_126, %broadcast_in_dim3A_142, %broadcast_in_dim3A_158, %broadcast_in_dim3A_174, %broadcast_in_dim3A_190 in 1 : vector<8x1xf32>, vector<8x1xf32>, vector<8x1xf32>, vector<8x1xf32>, vector<8x1xf32>, vector<8x1xf32>, vector<8x1xf32>, vector<8x1xf32> -> vector<8x8xf32>
    %swap3A = arith.constant 0 : index
    %swap3A_199 = arith.constant 0 : index
    %swap3A_200 = arith.constant 0 : index
    %swap3A_201 = vector.load %arg4[%swap3A, %swap3A_199, %swap3A_200] : memref<8x8x8xf32, #tpu.memory_space<vmem>>, vector<8x1x8xf32>
    %swap3A_202 = vector.shape_cast %swap3A_201 : vector<8x1x8xf32> to vector<8x8xf32>
    %swap3A_203 = vector.shape_cast %concatenate3A : vector<8x8xf32> to vector<8x1x8xf32>
    tpu.vector_store %arg4[%swap3A, %swap3A_199, %swap3A_200], %swap3A_203 {strides = array<i32>} : memref<8x8x8xf32, #tpu.memory_space<vmem>>, vector<8x1x8xf32>,
    %concatenate3A_204 = tpu.concatenate %broadcast_in_dim3A_86, %broadcast_in_dim3A_102, %broadcast_in_dim3A_118, %broadcast_in_dim3A_134, %broadcast_in_dim3A_150, %broadcast_in_dim3A_166, %broadcast_in_dim3A_182, %broadcast_in_dim3A_198 in 1 : vector<8x1xi32>, vector<8x1xi32>, vector<8x1xi32>, vector<8x1xi32>, vector<8x1xi32>, vector<8x1xi32>, vector<8x1xi32>, vector<8x1xi32> -> vector<8x8xi32>
    %swap3A_205 = arith.constant 0 : index
    %swap3A_206 = arith.constant 0 : index
    %swap3A_207 = arith.constant 0 : index
    %swap3A_208 = vector.load %arg5[%swap3A_205, %swap3A_206, %swap3A_207] : memref<8x8x8xi32, #tpu.memory_space<vmem>>, vector<8x1x8xi32>
    %swap3A_209 = vector.shape_cast %swap3A_208 : vector<8x1x8xi32> to vector<8x8xi32>
    %swap3A_210 = vector.shape_cast %concatenate3A_204 : vector<8x8xi32> to vector<8x1x8xi32>
    tpu.vector_store %arg5[%swap3A_205, %swap3A_206, %swap3A_207], %swap3A_210 {strides = array<i32>} : memref<8x8x8xi32, #tpu.memory_space<vmem>>, vector<8x1x8xi32>,
    %get3A_211 = arith.constant 0 : index
    %get3A_212 = arith.constant 3 : index
    %get3A_213 = vector.load %arg2[%get3A_211, %get3A_212] : memref<8x24xf32, #tpu.memory_space<vmem>>, vector<8x1xf32>
    %get3A_214 = arith.constant 0 : index
    %get3A_215 = arith.constant 4 : index
    %get3A_216 = vector.load %arg2[%get3A_214, %get3A_215] : memref<8x24xf32, #tpu.memory_space<vmem>>, vector<8x1xf32>
    %get3A_217 = arith.constant 0 : index
    %get3A_218 = arith.constant 5 : index
    %get3A_219 = vector.load %arg2[%get3A_217, %get3A_218] : memref<8x24xf32, #tpu.memory_space<vmem>>, vector<8x1xf32>
    %mul3A_220 = arith.mulf %get3A_213, %get3A_213 : vector<8x1xf32>
    %mul3A_221 = arith.mulf %get3A_216, %get3A_216 : vector<8x1xf32>
    %add3A_222 = arith.addf %mul3A_220, %mul3A_221 : vector<8x1xf32>
    %mul3A_223 = arith.mulf %get3A_219, %get3A_219 : vector<8x1xf32>
    %add3A_224 = arith.addf %add3A_222, %mul3A_223 : vector<8x1xf32>
    %sqrt3A_225 = math.sqrt %add3A_224 : vector<8x1xf32>
    %max3A_226 = arith.constant 9.99999996E-13 : f32
    %max3A_227 = vector.broadcast %max3A_226 : f32 to vector<8x1xf32>
    %max3A_228 = arith.maximumf %sqrt3A_225, %max3A_227 : vector<8x1xf32>
    %div3A_229 = arith.divf %get3A_213, %max3A_228 : vector<8x1xf32>
    %div3A_230 = arith.divf %get3A_216, %max3A_228 : vector<8x1xf32>
    %div3A_231 = arith.divf %get3A_219, %max3A_228 : vector<8x1xf32>
    %mul3A_232 = vector.broadcast %div3A_229 : vector<8x1xf32> to vector<8x10240xf32>
    %mul3A_233 = arith.mulf %mul3A_232, %div3A : vector<8x10240xf32>
    %mul3A_234 = vector.broadcast %div3A_230 : vector<8x1xf32> to vector<8x10240xf32>
    %mul3A_235 = arith.mulf %mul3A_234, %div3A_30 : vector<8x10240xf32>
    %add3A_236 = arith.addf %mul3A_233, %mul3A_235 : vector<8x10240xf32>
    %mul3A_237 = vector.broadcast %div3A_231 : vector<8x1xf32> to vector<8x10240xf32>
    %mul3A_238 = arith.mulf %mul3A_237, %div3A_31 : vector<8x10240xf32>
    %add3A_239 = arith.addf %add3A_236, %mul3A_238 : vector<8x10240xf32>
    %mul3A_240 = arith.mulf %add3A_239, %add3A_239 : vector<8x10240xf32>
    %sub3A_241 = arith.constant 1.000000e+00 : f32
    %sub3A_242 = vector.broadcast %sub3A_241 : f32 to vector<8x10240xf32>
    %sub3A_243 = arith.subf %sub3A_242, %mul3A_240 : vector<8x10240xf32>
    %max3A_244 = arith.constant 9.99999996E-13 : f32
    %max3A_245 = vector.broadcast %max3A_244 : f32 to vector<8x10240xf32>
    %max3A_246 = arith.maximumf %sub3A_243, %max3A_245 : vector<8x10240xf32>
    %sqrt3A_247 = math.sqrt %max3A_246 : vector<8x10240xf32>
    %mul3A_248 = arith.mulf %sqrt3A_247, %sqrt3A : vector<8x10240xf32>
    %lt3A_249 = arith.constant 0.865999996 : f32
    %lt3A_250 = vector.broadcast %lt3A_249 : f32 to vector<8x10240xf32>
    %lt3A_251 = arith.cmpf olt, %add3A_239, %lt3A_250 : vector<8x10240xf32>
    %jit3A_252 = arith.constant 1.000000e+08 : f32
    %broadcast_in_dim3A_253 = vector.broadcast %jit3A_252 : f32 to vector<8x10240xf32>
    %select_n3A_254 = arith.select %lt3A_251, %broadcast_in_dim3A_253, %mul3A_248 : vector<8x10240xi1>, vector<8x10240xf32>
    %jit3A_255 = arith.constant 0x7F800000 : f32
    %broadcast_in_dim3A_256 = vector.broadcast %jit3A_255 : f32 to vector<8x10240xf32>
    %select_n3A_257 = arith.select %lt3A_33, %select_n3A_254, %broadcast_in_dim3A_256 : vector<8x10240xi1>, vector<8x10240xf32>
    %reduce_min3A_258 = arith.constant dense<0x7F800000> : vector<8xf32>
    %reduce_min3A_259 = vector.multi_reduction <minimumf>, %select_n3A_257, %reduce_min3A_258 [1] : vector<8x10240xf32> to vector<8xf32>
    %broadcast_in_dim3A_260 = vector.shape_cast %reduce_min3A_259 : vector<8xf32> to vector<8x1xf32>
    %eq3A_261 = vector.broadcast %broadcast_in_dim3A_260 : vector<8x1xf32> to vector<8x10240xf32>
    %eq3A_262 = arith.cmpf oeq, %select_n3A_257, %eq3A_261 : vector<8x10240xf32>
    %jit3A_263 = arith.constant 1073741824 : i32
    %broadcast_in_dim3A_264 = vector.broadcast %jit3A_263 : i32 to vector<8x10240xi32>
    %select_n3A_265 = arith.select %eq3A_262, %iota3A, %broadcast_in_dim3A_264 : vector<8x10240xi1>, vector<8x10240xi32>
    %reduce_min3A_266 = arith.constant dense<2147483647> : vector<8xi32>
    %reduce_min3A_267 = vector.multi_reduction <minsi>, %select_n3A_265, %reduce_min3A_266 [1] : vector<8x10240xi32> to vector<8xi32>
    %broadcast_in_dim3A_268 = vector.shape_cast %reduce_min3A_267 : vector<8xi32> to vector<8x1xi32>
    %eq3A_269 = vector.broadcast %broadcast_in_dim3A_268 : vector<8x1xi32> to vector<8x10240xi32>
    %eq3A_270 = arith.cmpi eq, %iota3A, %eq3A_269 : vector<8x10240xi32>
    %jit3A_271 = arith.constant 0x7F800000 : f32
    %broadcast_in_dim3A_272 = vector.broadcast %jit3A_271 : f32 to vector<8x10240xf32>
    %select_n3A_273 = arith.select %eq3A_270, %broadcast_in_dim3A_272, %select_n3A_257 : vector<8x10240xi1>, vector<8x10240xf32>
    %reduce_min3A_274 = arith.constant dense<0x7F800000> : vector<8xf32>
    %reduce_min3A_275 = vector.multi_reduction <minimumf>, %select_n3A_273, %reduce_min3A_274 [1] : vector<8x10240xf32> to vector<8xf32>
    %broadcast_in_dim3A_276 = vector.shape_cast %reduce_min3A_275 : vector<8xf32> to vector<8x1xf32>
    %eq3A_277 = vector.broadcast %broadcast_in_dim3A_276 : vector<8x1xf32> to vector<8x10240xf32>
    %eq3A_278 = arith.cmpf oeq, %select_n3A_273, %eq3A_277 : vector<8x10240xf32>
    %jit3A_279 = arith.constant 1073741824 : i32
    %broadcast_in_dim3A_280 = vector.broadcast %jit3A_279 : i32 to vector<8x10240xi32>
    %select_n3A_281 = arith.select %eq3A_278, %iota3A, %broadcast_in_dim3A_280 : vector<8x10240xi1>, vector<8x10240xi32>
    %reduce_min3A_282 = arith.constant dense<2147483647> : vector<8xi32>
    %reduce_min3A_283 = vector.multi_reduction <minsi>, %select_n3A_281, %reduce_min3A_282 [1] : vector<8x10240xi32> to vector<8xi32>
    %broadcast_in_dim3A_284 = vector.shape_cast %reduce_min3A_283 : vector<8xi32> to vector<8x1xi32>
    %eq3A_285 = vector.broadcast %broadcast_in_dim3A_284 : vector<8x1xi32> to vector<8x10240xi32>
    %eq3A_286 = arith.cmpi eq, %iota3A, %eq3A_285 : vector<8x10240xi32>
    %jit3A_287 = arith.constant 0x7F800000 : f32
    %broadcast_in_dim3A_288 = vector.broadcast %jit3A_287 : f32 to vector<8x10240xf32>
    %select_n3A_289 = arith.select %eq3A_286, %broadcast_in_dim3A_288, %select_n3A_273 : vector<8x10240xi1>, vector<8x10240xf32>
    %reduce_min3A_290 = arith.constant dense<0x7F800000> : vector<8xf32>
    %reduce_min3A_291 = vector.multi_reduction <minimumf>, %select_n3A_289, %reduce_min3A_290 [1] : vector<8x10240xf32> to vector<8xf32>
    %broadcast_in_dim3A_292 = vector.shape_cast %reduce_min3A_291 : vector<8xf32> to vector<8x1xf32>
    %eq3A_293 = vector.broadcast %broadcast_in_dim3A_292 : vector<8x1xf32> to vector<8x10240xf32>
    %eq3A_294 = arith.cmpf oeq, %select_n3A_289, %eq3A_293 : vector<8x10240xf32>
    %jit3A_295 = arith.constant 1073741824 : i32
    %broadcast_in_dim3A_296 = vector.broadcast %jit3A_295 : i32 to vector<8x10240xi32>
    %select_n3A_297 = arith.select %eq3A_294, %iota3A, %broadcast_in_dim3A_296 : vector<8x10240xi1>, vector<8x10240xi32>
    %reduce_min3A_298 = arith.constant dense<2147483647> : vector<8xi32>
    %reduce_min3A_299 = vector.multi_reduction <minsi>, %select_n3A_297, %reduce_min3A_298 [1] : vector<8x10240xi32> to vector<8xi32>
    %broadcast_in_dim3A_300 = vector.shape_cast %reduce_min3A_299 : vector<8xi32> to vector<8x1xi32>
    %eq3A_301 = vector.broadcast %broadcast_in_dim3A_300 : vector<8x1xi32> to vector<8x10240xi32>
    %eq3A_302 = arith.cmpi eq, %iota3A, %eq3A_301 : vector<8x10240xi32>
    %jit3A_303 = arith.constant 0x7F800000 : f32
    %broadcast_in_dim3A_304 = vector.broadcast %jit3A_303 : f32 to vector<8x10240xf32>
    %select_n3A_305 = arith.select %eq3A_302, %broadcast_in_dim3A_304, %select_n3A_289 : vector<8x10240xi1>, vector<8x10240xf32>
    %reduce_min3A_306 = arith.constant dense<0x7F800000> : vector<8xf32>
    %reduce_min3A_307 = vector.multi_reduction <minimumf>, %select_n3A_305, %reduce_min3A_306 [1] : vector<8x10240xf32> to vector<8xf32>
    %broadcast_in_dim3A_308 = vector.shape_cast %reduce_min3A_307 : vector<8xf32> to vector<8x1xf32>
    %eq3A_309 = vector.broadcast %broadcast_in_dim3A_308 : vector<8x1xf32> to vector<8x10240xf32>
    %eq3A_310 = arith.cmpf oeq, %select_n3A_305, %eq3A_309 : vector<8x10240xf32>
    %jit3A_311 = arith.constant 1073741824 : i32
    %broadcast_in_dim3A_312 = vector.broadcast %jit3A_311 : i32 to vector<8x10240xi32>
    %select_n3A_313 = arith.select %eq3A_310, %iota3A, %broadcast_in_dim3A_312 : vector<8x10240xi1>, vector<8x10240xi32>
    %reduce_min3A_314 = arith.constant dense<2147483647> : vector<8xi32>
    %reduce_min3A_315 = vector.multi_reduction <minsi>, %select_n3A_313, %reduce_min3A_314 [1] : vector<8x10240xi32> to vector<8xi32>
    %broadcast_in_dim3A_316 = vector.shape_cast %reduce_min3A_315 : vector<8xi32> to vector<8x1xi32>
    %eq3A_317 = vector.broadcast %broadcast_in_dim3A_316 : vector<8x1xi32> to vector<8x10240xi32>
    %eq3A_318 = arith.cmpi eq, %iota3A, %eq3A_317 : vector<8x10240xi32>
    %jit3A_319 = arith.constant 0x7F800000 : f32
    %broadcast_in_dim3A_320 = vector.broadcast %jit3A_319 : f32 to vector<8x10240xf32>
    %select_n3A_321 = arith.select %eq3A_318, %broadcast_in_dim3A_320, %select_n3A_305 : vector<8x10240xi1>, vector<8x10240xf32>
    %reduce_min3A_322 = arith.constant dense<0x7F800000> : vector<8xf32>
    %reduce_min3A_323 = vector.multi_reduction <minimumf>, %select_n3A_321, %reduce_min3A_322 [1] : vector<8x10240xf32> to vector<8xf32>
    %broadcast_in_dim3A_324 = vector.shape_cast %reduce_min3A_323 : vector<8xf32> to vector<8x1xf32>
    %eq3A_325 = vector.broadcast %broadcast_in_dim3A_324 : vector<8x1xf32> to vector<8x10240xf32>
    %eq3A_326 = arith.cmpf oeq, %select_n3A_321, %eq3A_325 : vector<8x10240xf32>
    %jit3A_327 = arith.constant 1073741824 : i32
    %broadcast_in_dim3A_328 = vector.broadcast %jit3A_327 : i32 to vector<8x10240xi32>
    %select_n3A_329 = arith.select %eq3A_326, %iota3A, %broadcast_in_dim3A_328 : vector<8x10240xi1>, vector<8x10240xi32>
    %reduce_min3A_330 = arith.constant dense<2147483647> : vector<8xi32>
    %reduce_min3A_331 = vector.multi_reduction <minsi>, %select_n3A_329, %reduce_min3A_330 [1] : vector<8x10240xi32> to vector<8xi32>
    %broadcast_in_dim3A_332 = vector.shape_cast %reduce_min3A_331 : vector<8xi32> to vector<8x1xi32>
    %eq3A_333 = vector.broadcast %broadcast_in_dim3A_332 : vector<8x1xi32> to vector<8x10240xi32>
    %eq3A_334 = arith.cmpi eq, %iota3A, %eq3A_333 : vector<8x10240xi32>
    %jit3A_335 = arith.constant 0x7F800000 : f32
    %broadcast_in_dim3A_336 = vector.broadcast %jit3A_335 : f32 to vector<8x10240xf32>
    %select_n3A_337 = arith.select %eq3A_334, %broadcast_in_dim3A_336, %select_n3A_321 : vector<8x10240xi1>, vector<8x10240xf32>
    %reduce_min3A_338 = arith.constant dense<0x7F800000> : vector<8xf32>
    %reduce_min3A_339 = vector.multi_reduction <minimumf>, %select_n3A_337, %reduce_min3A_338 [1] : vector<8x10240xf32> to vector<8xf32>
    %broadcast_in_dim3A_340 = vector.shape_cast %reduce_min3A_339 : vector<8xf32> to vector<8x1xf32>
    %eq3A_341 = vector.broadcast %broadcast_in_dim3A_340 : vector<8x1xf32> to vector<8x10240xf32>
    %eq3A_342 = arith.cmpf oeq, %select_n3A_337, %eq3A_341 : vector<8x10240xf32>
    %jit3A_343 = arith.constant 1073741824 : i32
    %broadcast_in_dim3A_344 = vector.broadcast %jit3A_343 : i32 to vector<8x10240xi32>
    %select_n3A_345 = arith.select %eq3A_342, %iota3A, %broadcast_in_dim3A_344 : vector<8x10240xi1>, vector<8x10240xi32>
    %reduce_min3A_346 = arith.constant dense<2147483647> : vector<8xi32>
    %reduce_min3A_347 = vector.multi_reduction <minsi>, %select_n3A_345, %reduce_min3A_346 [1] : vector<8x10240xi32> to vector<8xi32>
    %broadcast_in_dim3A_348 = vector.shape_cast %reduce_min3A_347 : vector<8xi32> to vector<8x1xi32>
    %eq3A_349 = vector.broadcast %broadcast_in_dim3A_348 : vector<8x1xi32> to vector<8x10240xi32>
    %eq3A_350 = arith.cmpi eq, %iota3A, %eq3A_349 : vector<8x10240xi32>
    %jit3A_351 = arith.constant 0x7F800000 : f32
    %broadcast_in_dim3A_352 = vector.broadcast %jit3A_351 : f32 to vector<8x10240xf32>
    %select_n3A_353 = arith.select %eq3A_350, %broadcast_in_dim3A_352, %select_n3A_337 : vector<8x10240xi1>, vector<8x10240xf32>
    %reduce_min3A_354 = arith.constant dense<0x7F800000> : vector<8xf32>
    %reduce_min3A_355 = vector.multi_reduction <minimumf>, %select_n3A_353, %reduce_min3A_354 [1] : vector<8x10240xf32> to vector<8xf32>
    %broadcast_in_dim3A_356 = vector.shape_cast %reduce_min3A_355 : vector<8xf32> to vector<8x1xf32>
    %eq3A_357 = vector.broadcast %broadcast_in_dim3A_356 : vector<8x1xf32> to vector<8x10240xf32>
    %eq3A_358 = arith.cmpf oeq, %select_n3A_353, %eq3A_357 : vector<8x10240xf32>
    %jit3A_359 = arith.constant 1073741824 : i32
    %broadcast_in_dim3A_360 = vector.broadcast %jit3A_359 : i32 to vector<8x10240xi32>
    %select_n3A_361 = arith.select %eq3A_358, %iota3A, %broadcast_in_dim3A_360 : vector<8x10240xi1>, vector<8x10240xi32>
    %reduce_min3A_362 = arith.constant dense<2147483647> : vector<8xi32>
    %reduce_min3A_363 = vector.multi_reduction <minsi>, %select_n3A_361, %reduce_min3A_362 [1] : vector<8x10240xi32> to vector<8xi32>
    %broadcast_in_dim3A_364 = vector.shape_cast %reduce_min3A_363 : vector<8xi32> to vector<8x1xi32>
    %eq3A_365 = vector.broadcast %broadcast_in_dim3A_364 : vector<8x1xi32> to vector<8x10240xi32>
    %eq3A_366 = arith.cmpi eq, %iota3A, %eq3A_365 : vector<8x10240xi32>
    %jit3A_367 = arith.constant 0x7F800000 : f32
    %broadcast_in_dim3A_368 = vector.broadcast %jit3A_367 : f32 to vector<8x10240xf32>
    %select_n3A_369 = arith.select %eq3A_366, %broadcast_in_dim3A_368, %select_n3A_353 : vector<8x10240xi1>, vector<8x10240xf32>
    %reduce_min3A_370 = arith.constant dense<0x7F800000> : vector<8xf32>
    %reduce_min3A_371 = vector.multi_reduction <minimumf>, %select_n3A_369, %reduce_min3A_370 [1] : vector<8x10240xf32> to vector<8xf32>
    %broadcast_in_dim3A_372 = vector.shape_cast %reduce_min3A_371 : vector<8xf32> to vector<8x1xf32>
    %eq3A_373 = vector.broadcast %broadcast_in_dim3A_372 : vector<8x1xf32> to vector<8x10240xf32>
    %eq3A_374 = arith.cmpf oeq, %select_n3A_369, %eq3A_373 : vector<8x10240xf32>
    %jit3A_375 = arith.constant 1073741824 : i32
    %broadcast_in_dim3A_376 = vector.broadcast %jit3A_375 : i32 to vector<8x10240xi32>
    %select_n3A_377 = arith.select %eq3A_374, %iota3A, %broadcast_in_dim3A_376 : vector<8x10240xi1>, vector<8x10240xi32>
    %reduce_min3A_378 = arith.constant dense<2147483647> : vector<8xi32>
    %reduce_min3A_379 = vector.multi_reduction <minsi>, %select_n3A_377, %reduce_min3A_378 [1] : vector<8x10240xi32> to vector<8xi32>
    %broadcast_in_dim3A_380 = vector.shape_cast %reduce_min3A_379 : vector<8xi32> to vector<8x1xi32>
    %concatenate3A_381 = tpu.concatenate %broadcast_in_dim3A_260, %broadcast_in_dim3A_276, %broadcast_in_dim3A_292, %broadcast_in_dim3A_308, %broadcast_in_dim3A_324, %broadcast_in_dim3A_340, %broadcast_in_dim3A_356, %broadcast_in_dim3A_372 in 1 : vector<8x1xf32>, vector<8x1xf32>, vector<8x1xf32>, vector<8x1xf32>, vector<8x1xf32>, vector<8x1xf32>, vector<8x1xf32>, vector<8x1xf32> -> vector<8x8xf32>
    %swap3A_382 = arith.constant 0 : index
    %swap3A_383 = arith.constant 1 : index
    %swap3A_384 = arith.constant 0 : index
    %swap3A_385 = vector.load %arg4[%swap3A_382, %swap3A_383, %swap3A_384] : memref<8x8x8xf32, #tpu.memory_space<vmem>>, vector<8x1x8xf32>
    %swap3A_386 = vector.shape_cast %swap3A_385 : vector<8x1x8xf32> to vector<8x8xf32>
    %swap3A_387 = vector.shape_cast %concatenate3A_381 : vector<8x8xf32> to vector<8x1x8xf32>
    tpu.vector_store %arg4[%swap3A_382, %swap3A_383, %swap3A_384], %swap3A_387 {strides = array<i32>} : memref<8x8x8xf32, #tpu.memory_space<vmem>>, vector<8x1x8xf32>,
    %concatenate3A_388 = tpu.concatenate %broadcast_in_dim3A_268, %broadcast_in_dim3A_284, %broadcast_in_dim3A_300, %broadcast_in_dim3A_316, %broadcast_in_dim3A_332, %broadcast_in_dim3A_348, %broadcast_in_dim3A_364, %broadcast_in_dim3A_380 in 1 : vector<8x1xi32>, vector<8x1xi32>, vector<8x1xi32>, vector<8x1xi32>, vector<8x1xi32>, vector<8x1xi32>, vector<8x1xi32>, vector<8x1xi32> -> vector<8x8xi32>
    %swap3A_389 = arith.constant 0 : index
    %swap3A_390 = arith.constant 1 : index
    %swap3A_391 = arith.constant 0 : index
    %swap3A_392 = vector.load %arg5[%swap3A_389, %swap3A_390, %swap3A_391] : memref<8x8x8xi32, #tpu.memory_space<vmem>>, vector<8x1x8xi32>
    %swap3A_393 = vector.shape_cast %swap3A_392 : vector<8x1x8xi32> to vector<8x8xi32>
    %swap3A_394 = vector.shape_cast %concatenate3A_388 : vector<8x8xi32> to vector<8x1x8xi32>
    tpu.vector_store %arg5[%swap3A_389, %swap3A_390, %swap3A_391], %swap3A_394 {strides = array<i32>} : memref<8x8x8xi32, #tpu.memory_space<vmem>>, vector<8x1x8xi32>,
    %get3A_395 = arith.constant 0 : index
    %get3A_396 = arith.constant 6 : index
    %get3A_397 = vector.load %arg2[%get3A_395, %get3A_396] : memref<8x24xf32, #tpu.memory_space<vmem>>, vector<8x1xf32>
    %get3A_398 = arith.constant 0 : index
    %get3A_399 = arith.constant 7 : index
    %get3A_400 = vector.load %arg2[%get3A_398, %get3A_399] : memref<8x24xf32, #tpu.memory_space<vmem>>, vector<8x1xf32>
    %get3A_401 = arith.constant 0 : index
    %get3A_402 = arith.constant 8 : index
    %get3A_403 = vector.load %arg2[%get3A_401, %get3A_402] : memref<8x24xf32, #tpu.memory_space<vmem>>, vector<8x1xf32>
    %mul3A_404 = arith.mulf %get3A_397, %get3A_397 : vector<8x1xf32>
    %mul3A_405 = arith.mulf %get3A_400, %get3A_400 : vector<8x1xf32>
    %add3A_406 = arith.addf %mul3A_404, %mul3A_405 : vector<8x1xf32>
    %mul3A_407 = arith.mulf %get3A_403, %get3A_403 : vector<8x1xf32>
    %add3A_408 = arith.addf %add3A_406, %mul3A_407 : vector<8x1xf32>
    %sqrt3A_409 = math.sqrt %add3A_408 : vector<8x1xf32>
    %max3A_410 = arith.constant 9.99999996E-13 : f32
    %max3A_411 = vector.broadcast %max3A_410 : f32 to vector<8x1xf32>
    %max3A_412 = arith.maximumf %sqrt3A_409, %max3A_411 : vector<8x1xf32>
    %div3A_413 = arith.divf %get3A_397, %max3A_412 : vector<8x1xf32>
    %div3A_414 = arith.divf %get3A_400, %max3A_412 : vector<8x1xf32>
    %div3A_415 = arith.divf %get3A_403, %max3A_412 : vector<8x1xf32>
    %mul3A_416 = vector.broadcast %div3A_413 : vector<8x1xf32> to vector<8x10240xf32>
    %mul3A_417 = arith.mulf %mul3A_416, %div3A : vector<8x10240xf32>
    %mul3A_418 = vector.broadcast %div3A_414 : vector<8x1xf32> to vector<8x10240xf32>
    %mul3A_419 = arith.mulf %mul3A_418, %div3A_30 : vector<8x10240xf32>
    %add3A_420 = arith.addf %mul3A_417, %mul3A_419 : vector<8x10240xf32>
    %mul3A_421 = vector.broadcast %div3A_415 : vector<8x1xf32> to vector<8x10240xf32>
    %mul3A_422 = arith.mulf %mul3A_421, %div3A_31 : vector<8x10240xf32>
    %add3A_423 = arith.addf %add3A_420, %mul3A_422 : vector<8x10240xf32>
    %mul3A_424 = arith.mulf %add3A_423, %add3A_423 : vector<8x10240xf32>
    %sub3A_425 = arith.constant 1.000000e+00 : f32
    %sub3A_426 = vector.broadcast %sub3A_425 : f32 to vector<8x10240xf32>
    %sub3A_427 = arith.subf %sub3A_426, %mul3A_424 : vector<8x10240xf32>
    %max3A_428 = arith.constant 9.99999996E-13 : f32
    %max3A_429 = vector.broadcast %max3A_428 : f32 to vector<8x10240xf32>
    %max3A_430 = arith.maximumf %sub3A_427, %max3A_429 : vector<8x10240xf32>
    %sqrt3A_431 = math.sqrt %max3A_430 : vector<8x10240xf32>
    %mul3A_432 = arith.mulf %sqrt3A_431, %sqrt3A : vector<8x10240xf32>
    %lt3A_433 = arith.constant 0.865999996 : f32
    %lt3A_434 = vector.broadcast %lt3A_433 : f32 to vector<8x10240xf32>
    %lt3A_435 = arith.cmpf olt, %add3A_423, %lt3A_434 : vector<8x10240xf32>
    %jit3A_436 = arith.constant 1.000000e+08 : f32
    %broadcast_in_dim3A_437 = vector.broadcast %jit3A_436 : f32 to vector<8x10240xf32>
    %select_n3A_438 = arith.select %lt3A_435, %broadcast_in_dim3A_437, %mul3A_432 : vector<8x10240xi1>, vector<8x10240xf32>
    %jit3A_439 = arith.constant 0x7F800000 : f32
    %broadcast_in_dim3A_440 = vector.broadcast %jit3A_439 : f32 to vector<8x10240xf32>
    %select_n3A_441 = arith.select %lt3A_33, %select_n3A_438, %broadcast_in_dim3A_440 : vector<8x10240xi1>, vector<8x10240xf32>
    %reduce_min3A_442 = arith.constant dense<0x7F800000> : vector<8xf32>
    %reduce_min3A_443 = vector.multi_reduction <minimumf>, %select_n3A_441, %reduce_min3A_442 [1] : vector<8x10240xf32> to vector<8xf32>
    %broadcast_in_dim3A_444 = vector.shape_cast %reduce_min3A_443 : vector<8xf32> to vector<8x1xf32>
    %eq3A_445 = vector.broadcast %broadcast_in_dim3A_444 : vector<8x1xf32> to vector<8x10240xf32>
    %eq3A_446 = arith.cmpf oeq, %select_n3A_441, %eq3A_445 : vector<8x10240xf32>
    %jit3A_447 = arith.constant 1073741824 : i32
    %broadcast_in_dim3A_448 = vector.broadcast %jit3A_447 : i32 to vector<8x10240xi32>
    %select_n3A_449 = arith.select %eq3A_446, %iota3A, %broadcast_in_dim3A_448 : vector<8x10240xi1>, vector<8x10240xi32>
    %reduce_min3A_450 = arith.constant dense<2147483647> : vector<8xi32>
    %reduce_min3A_451 = vector.multi_reduction <minsi>, %select_n3A_449, %reduce_min3A_450 [1] : vector<8x10240xi32> to vector<8xi32>
    %broadcast_in_dim3A_452 = vector.shape_cast %reduce_min3A_451 : vector<8xi32> to vector<8x1xi32>
    %eq3A_453 = vector.broadcast %broadcast_in_dim3A_452 : vector<8x1xi32> to vector<8x10240xi32>
    %eq3A_454 = arith.cmpi eq, %iota3A, %eq3A_453 : vector<8x10240xi32>
    %jit3A_455 = arith.constant 0x7F800000 : f32
    %broadcast_in_dim3A_456 = vector.broadcast %jit3A_455 : f32 to vector<8x10240xf32>
    %select_n3A_457 = arith.select %eq3A_454, %broadcast_in_dim3A_456, %select_n3A_441 : vector<8x10240xi1>, vector<8x10240xf32>
    %reduce_min3A_458 = arith.constant dense<0x7F800000> : vector<8xf32>
    %reduce_min3A_459 = vector.multi_reduction <minimumf>, %select_n3A_457, %reduce_min3A_458 [1] : vector<8x10240xf32> to vector<8xf32>
    %broadcast_in_dim3A_460 = vector.shape_cast %reduce_min3A_459 : vector<8xf32> to vector<8x1xf32>
    %eq3A_461 = vector.broadcast %broadcast_in_dim3A_460 : vector<8x1xf32> to vector<8x10240xf32>
    %eq3A_462 = arith.cmpf oeq, %select_n3A_457, %eq3A_461 : vector<8x10240xf32>
    %jit3A_463 = arith.constant 1073741824 : i32
    %broadcast_in_dim3A_464 = vector.broadcast %jit3A_463 : i32 to vector<8x10240xi32>
    %select_n3A_465 = arith.select %eq3A_462, %iota3A, %broadcast_in_dim3A_464 : vector<8x10240xi1>, vector<8x10240xi32>
    %reduce_min3A_466 = arith.constant dense<2147483647> : vector<8xi32>
    %reduce_min3A_467 = vector.multi_reduction <minsi>, %select_n3A_465, %reduce_min3A_466 [1] : vector<8x10240xi32> to vector<8xi32>
    %broadcast_in_dim3A_468 = vector.shape_cast %reduce_min3A_467 : vector<8xi32> to vector<8x1xi32>
    %eq3A_469 = vector.broadcast %broadcast_in_dim3A_468 : vector<8x1xi32> to vector<8x10240xi32>
    %eq3A_470 = arith.cmpi eq, %iota3A, %eq3A_469 : vector<8x10240xi32>
    %jit3A_471 = arith.constant 0x7F800000 : f32
    %broadcast_in_dim3A_472 = vector.broadcast %jit3A_471 : f32 to vector<8x10240xf32>
    %select_n3A_473 = arith.select %eq3A_470, %broadcast_in_dim3A_472, %select_n3A_457 : vector<8x10240xi1>, vector<8x10240xf32>
    %reduce_min3A_474 = arith.constant dense<0x7F800000> : vector<8xf32>
    %reduce_min3A_475 = vector.multi_reduction <minimumf>, %select_n3A_473, %reduce_min3A_474 [1] : vector<8x10240xf32> to vector<8xf32>
    %broadcast_in_dim3A_476 = vector.shape_cast %reduce_min3A_475 : vector<8xf32> to vector<8x1xf32>
    %eq3A_477 = vector.broadcast %broadcast_in_dim3A_476 : vector<8x1xf32> to vector<8x10240xf32>
    %eq3A_478 = arith.cmpf oeq, %select_n3A_473, %eq3A_477 : vector<8x10240xf32>
    %jit3A_479 = arith.constant 1073741824 : i32
    %broadcast_in_dim3A_480 = vector.broadcast %jit3A_479 : i32 to vector<8x10240xi32>
    %select_n3A_481 = arith.select %eq3A_478, %iota3A, %broadcast_in_dim3A_480 : vector<8x10240xi1>, vector<8x10240xi32>
    %reduce_min3A_482 = arith.constant dense<2147483647> : vector<8xi32>
    %reduce_min3A_483 = vector.multi_reduction <minsi>, %select_n3A_481, %reduce_min3A_482 [1] : vector<8x10240xi32> to vector<8xi32>
    %broadcast_in_dim3A_484 = vector.shape_cast %reduce_min3A_483 : vector<8xi32> to vector<8x1xi32>
    %eq3A_485 = vector.broadcast %broadcast_in_dim3A_484 : vector<8x1xi32> to vector<8x10240xi32>
    %eq3A_486 = arith.cmpi eq, %iota3A, %eq3A_485 : vector<8x10240xi32>
    %jit3A_487 = arith.constant 0x7F800000 : f32
    %broadcast_in_dim3A_488 = vector.broadcast %jit3A_487 : f32 to vector<8x10240xf32>
    %select_n3A_489 = arith.select %eq3A_486, %broadcast_in_dim3A_488, %select_n3A_473 : vector<8x10240xi1>, vector<8x10240xf32>
    %reduce_min3A_490 = arith.constant dense<0x7F800000> : vector<8xf32>
    %reduce_min3A_491 = vector.multi_reduction <minimumf>, %select_n3A_489, %reduce_min3A_490 [1] : vector<8x10240xf32> to vector<8xf32>
    %broadcast_in_dim3A_492 = vector.shape_cast %reduce_min3A_491 : vector<8xf32> to vector<8x1xf32>
    %eq3A_493 = vector.broadcast %broadcast_in_dim3A_492 : vector<8x1xf32> to vector<8x10240xf32>
    %eq3A_494 = arith.cmpf oeq, %select_n3A_489, %eq3A_493 : vector<8x10240xf32>
    %jit3A_495 = arith.constant 1073741824 : i32
    %broadcast_in_dim3A_496 = vector.broadcast %jit3A_495 : i32 to vector<8x10240xi32>
    %select_n3A_497 = arith.select %eq3A_494, %iota3A, %broadcast_in_dim3A_496 : vector<8x10240xi1>, vector<8x10240xi32>
    %reduce_min3A_498 = arith.constant dense<2147483647> : vector<8xi32>
    %reduce_min3A_499 = vector.multi_reduction <minsi>, %select_n3A_497, %reduce_min3A_498 [1] : vector<8x10240xi32> to vector<8xi32>
    %broadcast_in_dim3A_500 = vector.shape_cast %reduce_min3A_499 : vector<8xi32> to vector<8x1xi32>
    %eq3A_501 = vector.broadcast %broadcast_in_dim3A_500 : vector<8x1xi32> to vector<8x10240xi32>
    %eq3A_502 = arith.cmpi eq, %iota3A, %eq3A_501 : vector<8x10240xi32>
    %jit3A_503 = arith.constant 0x7F800000 : f32
    %broadcast_in_dim3A_504 = vector.broadcast %jit3A_503 : f32 to vector<8x10240xf32>
    %select_n3A_505 = arith.select %eq3A_502, %broadcast_in_dim3A_504, %select_n3A_489 : vector<8x10240xi1>, vector<8x10240xf32>
    %reduce_min3A_506 = arith.constant dense<0x7F800000> : vector<8xf32>
    %reduce_min3A_507 = vector.multi_reduction <minimumf>, %select_n3A_505, %reduce_min3A_506 [1] : vector<8x10240xf32> to vector<8xf32>
    %broadcast_in_dim3A_508 = vector.shape_cast %reduce_min3A_507 : vector<8xf32> to vector<8x1xf32>
    %eq3A_509 = vector.broadcast %broadcast_in_dim3A_508 : vector<8x1xf32> to vector<8x10240xf32>
    %eq3A_510 = arith.cmpf oeq, %select_n3A_505, %eq3A_509 : vector<8x10240xf32>
    %jit3A_511 = arith.constant 1073741824 : i32
    %broadcast_in_dim3A_512 = vector.broadcast %jit3A_511 : i32 to vector<8x10240xi32>
    %select_n3A_513 = arith.select %eq3A_510, %iota3A, %broadcast_in_dim3A_512 : vector<8x10240xi1>, vector<8x10240xi32>
    %reduce_min3A_514 = arith.constant dense<2147483647> : vector<8xi32>
    %reduce_min3A_515 = vector.multi_reduction <minsi>, %select_n3A_513, %reduce_min3A_514 [1] : vector<8x10240xi32> to vector<8xi32>
    %broadcast_in_dim3A_516 = vector.shape_cast %reduce_min3A_515 : vector<8xi32> to vector<8x1xi32>
    %eq3A_517 = vector.broadcast %broadcast_in_dim3A_516 : vector<8x1xi32> to vector<8x10240xi32>
    %eq3A_518 = arith.cmpi eq, %iota3A, %eq3A_517 : vector<8x10240xi32>
    %jit3A_519 = arith.constant 0x7F800000 : f32
    %broadcast_in_dim3A_520 = vector.broadcast %jit3A_519 : f32 to vector<8x10240xf32>
    %select_n3A_521 = arith.select %eq3A_518, %broadcast_in_dim3A_520, %select_n3A_505 : vector<8x10240xi1>, vector<8x10240xf32>
    %reduce_min3A_522 = arith.constant dense<0x7F800000> : vector<8xf32>
    %reduce_min3A_523 = vector.multi_reduction <minimumf>, %select_n3A_521, %reduce_min3A_522 [1] : vector<8x10240xf32> to vector<8xf32>
    %broadcast_in_dim3A_524 = vector.shape_cast %reduce_min3A_523 : vector<8xf32> to vector<8x1xf32>
    %eq3A_525 = vector.broadcast %broadcast_in_dim3A_524 : vector<8x1xf32> to vector<8x10240xf32>
    %eq3A_526 = arith.cmpf oeq, %select_n3A_521, %eq3A_525 : vector<8x10240xf32>
    %jit3A_527 = arith.constant 1073741824 : i32
    %broadcast_in_dim3A_528 = vector.broadcast %jit3A_527 : i32 to vector<8x10240xi32>
    %select_n3A_529 = arith.select %eq3A_526, %iota3A, %broadcast_in_dim3A_528 : vector<8x10240xi1>, vector<8x10240xi32>
    %reduce_min3A_530 = arith.constant dense<2147483647> : vector<8xi32>
    %reduce_min3A_531 = vector.multi_reduction <minsi>, %select_n3A_529, %reduce_min3A_530 [1] : vector<8x10240xi32> to vector<8xi32>
    %broadcast_in_dim3A_532 = vector.shape_cast %reduce_min3A_531 : vector<8xi32> to vector<8x1xi32>
    %eq3A_533 = vector.broadcast %broadcast_in_dim3A_532 : vector<8x1xi32> to vector<8x10240xi32>
    %eq3A_534 = arith.cmpi eq, %iota3A, %eq3A_533 : vector<8x10240xi32>
    %jit3A_535 = arith.constant 0x7F800000 : f32
    %broadcast_in_dim3A_536 = vector.broadcast %jit3A_535 : f32 to vector<8x10240xf32>
    %select_n3A_537 = arith.select %eq3A_534, %broadcast_in_dim3A_536, %select_n3A_521 : vector<8x10240xi1>, vector<8x10240xf32>
    %reduce_min3A_538 = arith.constant dense<0x7F800000> : vector<8xf32>
    %reduce_min3A_539 = vector.multi_reduction <minimumf>, %select_n3A_537, %reduce_min3A_538 [1] : vector<8x10240xf32> to vector<8xf32>
    %broadcast_in_dim3A_540 = vector.shape_cast %reduce_min3A_539 : vector<8xf32> to vector<8x1xf32>
    %eq3A_541 = vector.broadcast %broadcast_in_dim3A_540 : vector<8x1xf32> to vector<8x10240xf32>
    %eq3A_542 = arith.cmpf oeq, %select_n3A_537, %eq3A_541 : vector<8x10240xf32>
    %jit3A_543 = arith.constant 1073741824 : i32
    %broadcast_in_dim3A_544 = vector.broadcast %jit3A_543 : i32 to vector<8x10240xi32>
    %select_n3A_545 = arith.select %eq3A_542, %iota3A, %broadcast_in_dim3A_544 : vector<8x10240xi1>, vector<8x10240xi32>
    %reduce_min3A_546 = arith.constant dense<2147483647> : vector<8xi32>
    %reduce_min3A_547 = vector.multi_reduction <minsi>, %select_n3A_545, %reduce_min3A_546 [1] : vector<8x10240xi32> to vector<8xi32>
    %broadcast_in_dim3A_548 = vector.shape_cast %reduce_min3A_547 : vector<8xi32> to vector<8x1xi32>
    %eq3A_549 = vector.broadcast %broadcast_in_dim3A_548 : vector<8x1xi32> to vector<8x10240xi32>
    %eq3A_550 = arith.cmpi eq, %iota3A, %eq3A_549 : vector<8x10240xi32>
    %jit3A_551 = arith.constant 0x7F800000 : f32
    %broadcast_in_dim3A_552 = vector.broadcast %jit3A_551 : f32 to vector<8x10240xf32>
    %select_n3A_553 = arith.select %eq3A_550, %broadcast_in_dim3A_552, %select_n3A_537 : vector<8x10240xi1>, vector<8x10240xf32>
    %reduce_min3A_554 = arith.constant dense<0x7F800000> : vector<8xf32>
    %reduce_min3A_555 = vector.multi_reduction <minimumf>, %select_n3A_553, %reduce_min3A_554 [1] : vector<8x10240xf32> to vector<8xf32>
    %broadcast_in_dim3A_556 = vector.shape_cast %reduce_min3A_555 : vector<8xf32> to vector<8x1xf32>
    %eq3A_557 = vector.broadcast %broadcast_in_dim3A_556 : vector<8x1xf32> to vector<8x10240xf32>
    %eq3A_558 = arith.cmpf oeq, %select_n3A_553, %eq3A_557 : vector<8x10240xf32>
    %jit3A_559 = arith.constant 1073741824 : i32
    %broadcast_in_dim3A_560 = vector.broadcast %jit3A_559 : i32 to vector<8x10240xi32>
    %select_n3A_561 = arith.select %eq3A_558, %iota3A, %broadcast_in_dim3A_560 : vector<8x10240xi1>, vector<8x10240xi32>
    %reduce_min3A_562 = arith.constant dense<2147483647> : vector<8xi32>
    %reduce_min3A_563 = vector.multi_reduction <minsi>, %select_n3A_561, %reduce_min3A_562 [1] : vector<8x10240xi32> to vector<8xi32>
    %broadcast_in_dim3A_564 = vector.shape_cast %reduce_min3A_563 : vector<8xi32> to vector<8x1xi32>
    %concatenate3A_565 = tpu.concatenate %broadcast_in_dim3A_444, %broadcast_in_dim3A_460, %broadcast_in_dim3A_476, %broadcast_in_dim3A_492, %broadcast_in_dim3A_508, %broadcast_in_dim3A_524, %broadcast_in_dim3A_540, %broadcast_in_dim3A_556 in 1 : vector<8x1xf32>, vector<8x1xf32>, vector<8x1xf32>, vector<8x1xf32>, vector<8x1xf32>, vector<8x1xf32>, vector<8x1xf32>, vector<8x1xf32> -> vector<8x8xf32>
    %swap3A_566 = arith.constant 0 : index
    %swap3A_567 = arith.constant 2 : index
    %swap3A_568 = arith.constant 0 : index
    %swap3A_569 = vector.load %arg4[%swap3A_566, %swap3A_567, %swap3A_568] : memref<8x8x8xf32, #tpu.memory_space<vmem>>, vector<8x1x8xf32>
    %swap3A_570 = vector.shape_cast %swap3A_569 : vector<8x1x8xf32> to vector<8x8xf32>
    %swap3A_571 = vector.shape_cast %concatenate3A_565 : vector<8x8xf32> to vector<8x1x8xf32>
    tpu.vector_store %arg4[%swap3A_566, %swap3A_567, %swap3A_568], %swap3A_571 {strides = array<i32>} : memref<8x8x8xf32, #tpu.memory_space<vmem>>, vector<8x1x8xf32>,
    %concatenate3A_572 = tpu.concatenate %broadcast_in_dim3A_452, %broadcast_in_dim3A_468, %broadcast_in_dim3A_484, %broadcast_in_dim3A_500, %broadcast_in_dim3A_516, %broadcast_in_dim3A_532, %broadcast_in_dim3A_548, %broadcast_in_dim3A_564 in 1 : vector<8x1xi32>, vector<8x1xi32>, vector<8x1xi32>, vector<8x1xi32>, vector<8x1xi32>, vector<8x1xi32>, vector<8x1xi32>, vector<8x1xi32> -> vector<8x8xi32>
    %swap3A_573 = arith.constant 0 : index
    %swap3A_574 = arith.constant 2 : index
    %swap3A_575 = arith.constant 0 : index
    %swap3A_576 = vector.load %arg5[%swap3A_573, %swap3A_574, %swap3A_575] : memref<8x8x8xi32, #tpu.memory_space<vmem>>, vector<8x1x8xi32>
    %swap3A_577 = vector.shape_cast %swap3A_576 : vector<8x1x8xi32> to vector<8x8xi32>
    %swap3A_578 = vector.shape_cast %concatenate3A_572 : vector<8x8xi32> to vector<8x1x8xi32>
    tpu.vector_store %arg5[%swap3A_573, %swap3A_574, %swap3A_575], %swap3A_578 {strides = array<i32>} : memref<8x8x8xi32, #tpu.memory_space<vmem>>, vector<8x1x8xi32>,
    %get3A_579 = arith.constant 0 : index
    %get3A_580 = arith.constant 9 : index
    %get3A_581 = vector.load %arg2[%get3A_579, %get3A_580] : memref<8x24xf32, #tpu.memory_space<vmem>>, vector<8x1xf32>
    %get3A_582 = arith.constant 0 : index
    %get3A_583 = arith.constant 10 : index
    %get3A_584 = vector.load %arg2[%get3A_582, %get3A_583] : memref<8x24xf32, #tpu.memory_space<vmem>>, vector<8x1xf32>
    %get3A_585 = arith.constant 0 : index
    %get3A_586 = arith.constant 11 : index
    %get3A_587 = vector.load %arg2[%get3A_585, %get3A_586] : memref<8x24xf32, #tpu.memory_space<vmem>>, vector<8x1xf32>
    %mul3A_588 = arith.mulf %get3A_581, %get3A_581 : vector<8x1xf32>
    %mul3A_589 = arith.mulf %get3A_584, %get3A_584 : vector<8x1xf32>
    %add3A_590 = arith.addf %mul3A_588, %mul3A_589 : vector<8x1xf32>
    %mul3A_591 = arith.mulf %get3A_587, %get3A_587 : vector<8x1xf32>
    %add3A_592 = arith.addf %add3A_590, %mul3A_591 : vector<8x1xf32>
    %sqrt3A_593 = math.sqrt %add3A_592 : vector<8x1xf32>
    %max3A_594 = arith.constant 9.99999996E-13 : f32
    %max3A_595 = vector.broadcast %max3A_594 : f32 to vector<8x1xf32>
    %max3A_596 = arith.maximumf %sqrt3A_593, %max3A_595 : vector<8x1xf32>
    %div3A_597 = arith.divf %get3A_581, %max3A_596 : vector<8x1xf32>
    %div3A_598 = arith.divf %get3A_584, %max3A_596 : vector<8x1xf32>
    %div3A_599 = arith.divf %get3A_587, %max3A_596 : vector<8x1xf32>
    %mul3A_600 = vector.broadcast %div3A_597 : vector<8x1xf32> to vector<8x10240xf32>
    %mul3A_601 = arith.mulf %mul3A_600, %div3A : vector<8x10240xf32>
    %mul3A_602 = vector.broadcast %div3A_598 : vector<8x1xf32> to vector<8x10240xf32>
    %mul3A_603 = arith.mulf %mul3A_602, %div3A_30 : vector<8x10240xf32>
    %add3A_604 = arith.addf %mul3A_601, %mul3A_603 : vector<8x10240xf32>
    %mul3A_605 = vector.broadcast %div3A_599 : vector<8x1xf32> to vector<8x10240xf32>
    %mul3A_606 = arith.mulf %mul3A_605, %div3A_31 : vector<8x10240xf32>
    %add3A_607 = arith.addf %add3A_604, %mul3A_606 : vector<8x10240xf32>
    %mul3A_608 = arith.mulf %add3A_607, %add3A_607 : vector<8x10240xf32>
    %sub3A_609 = arith.constant 1.000000e+00 : f32
    %sub3A_610 = vector.broadcast %sub3A_609 : f32 to vector<8x10240xf32>
    %sub3A_611 = arith.subf %sub3A_610, %mul3A_608 : vector<8x10240xf32>
    %max3A_612 = arith.constant 9.99999996E-13 : f32
    %max3A_613 = vector.broadcast %max3A_612 : f32 to vector<8x10240xf32>
    %max3A_614 = arith.maximumf %sub3A_611, %max3A_613 : vector<8x10240xf32>
    %sqrt3A_615 = math.sqrt %max3A_614 : vector<8x10240xf32>
    %mul3A_616 = arith.mulf %sqrt3A_615, %sqrt3A : vector<8x10240xf32>
    %lt3A_617 = arith.constant 0.865999996 : f32
    %lt3A_618 = vector.broadcast %lt3A_617 : f32 to vector<8x10240xf32>
    %lt3A_619 = arith.cmpf olt, %add3A_607, %lt3A_618 : vector<8x10240xf32>
    %jit3A_620 = arith.constant 1.000000e+08 : f32
    %broadcast_in_dim3A_621 = vector.broadcast %jit3A_620 : f32 to vector<8x10240xf32>
    %select_n3A_622 = arith.select %lt3A_619, %broadcast_in_dim3A_621, %mul3A_616 : vector<8x10240xi1>, vector<8x10240xf32>
    %jit3A_623 = arith.constant 0x7F800000 : f32
    %broadcast_in_dim3A_624 = vector.broadcast %jit3A_623 : f32 to vector<8x10240xf32>
    %select_n3A_625 = arith.select %lt3A_33, %select_n3A_622, %broadcast_in_dim3A_624 : vector<8x10240xi1>, vector<8x10240xf32>
    %reduce_min3A_626 = arith.constant dense<0x7F800000> : vector<8xf32>
    %reduce_min3A_627 = vector.multi_reduction <minimumf>, %select_n3A_625, %reduce_min3A_626 [1] : vector<8x10240xf32> to vector<8xf32>
    %broadcast_in_dim3A_628 = vector.shape_cast %reduce_min3A_627 : vector<8xf32> to vector<8x1xf32>
    %eq3A_629 = vector.broadcast %broadcast_in_dim3A_628 : vector<8x1xf32> to vector<8x10240xf32>
    %eq3A_630 = arith.cmpf oeq, %select_n3A_625, %eq3A_629 : vector<8x10240xf32>
    %jit3A_631 = arith.constant 1073741824 : i32
    %broadcast_in_dim3A_632 = vector.broadcast %jit3A_631 : i32 to vector<8x10240xi32>
    %select_n3A_633 = arith.select %eq3A_630, %iota3A, %broadcast_in_dim3A_632 : vector<8x10240xi1>, vector<8x10240xi32>
    %reduce_min3A_634 = arith.constant dense<2147483647> : vector<8xi32>
    %reduce_min3A_635 = vector.multi_reduction <minsi>, %select_n3A_633, %reduce_min3A_634 [1] : vector<8x10240xi32> to vector<8xi32>
    %broadcast_in_dim3A_636 = vector.shape_cast %reduce_min3A_635 : vector<8xi32> to vector<8x1xi32>
    %eq3A_637 = vector.broadcast %broadcast_in_dim3A_636 : vector<8x1xi32> to vector<8x10240xi32>
    %eq3A_638 = arith.cmpi eq, %iota3A, %eq3A_637 : vector<8x10240xi32>
    %jit3A_639 = arith.constant 0x7F800000 : f32
    %broadcast_in_dim3A_640 = vector.broadcast %jit3A_639 : f32 to vector<8x10240xf32>
    %select_n3A_641 = arith.select %eq3A_638, %broadcast_in_dim3A_640, %select_n3A_625 : vector<8x10240xi1>, vector<8x10240xf32>
    %reduce_min3A_642 = arith.constant dense<0x7F800000> : vector<8xf32>
    %reduce_min3A_643 = vector.multi_reduction <minimumf>, %select_n3A_641, %reduce_min3A_642 [1] : vector<8x10240xf32> to vector<8xf32>
    %broadcast_in_dim3A_644 = vector.shape_cast %reduce_min3A_643 : vector<8xf32> to vector<8x1xf32>
    %eq3A_645 = vector.broadcast %broadcast_in_dim3A_644 : vector<8x1xf32> to vector<8x10240xf32>
    %eq3A_646 = arith.cmpf oeq, %select_n3A_641, %eq3A_645 : vector<8x10240xf32>
    %jit3A_647 = arith.constant 1073741824 : i32
    %broadcast_in_dim3A_648 = vector.broadcast %jit3A_647 : i32 to vector<8x10240xi32>
    %select_n3A_649 = arith.select %eq3A_646, %iota3A, %broadcast_in_dim3A_648 : vector<8x10240xi1>, vector<8x10240xi32>
    %reduce_min3A_650 = arith.constant dense<2147483647> : vector<8xi32>
    %reduce_min3A_651 = vector.multi_reduction <minsi>, %select_n3A_649, %reduce_min3A_650 [1] : vector<8x10240xi32> to vector<8xi32>
    %broadcast_in_dim3A_652 = vector.shape_cast %reduce_min3A_651 : vector<8xi32> to vector<8x1xi32>
    %eq3A_653 = vector.broadcast %broadcast_in_dim3A_652 : vector<8x1xi32> to vector<8x10240xi32>
    %eq3A_654 = arith.cmpi eq, %iota3A, %eq3A_653 : vector<8x10240xi32>
    %jit3A_655 = arith.constant 0x7F800000 : f32
    %broadcast_in_dim3A_656 = vector.broadcast %jit3A_655 : f32 to vector<8x10240xf32>
    %select_n3A_657 = arith.select %eq3A_654, %broadcast_in_dim3A_656, %select_n3A_641 : vector<8x10240xi1>, vector<8x10240xf32>
    %reduce_min3A_658 = arith.constant dense<0x7F800000> : vector<8xf32>
    %reduce_min3A_659 = vector.multi_reduction <minimumf>, %select_n3A_657, %reduce_min3A_658 [1] : vector<8x10240xf32> to vector<8xf32>
    %broadcast_in_dim3A_660 = vector.shape_cast %reduce_min3A_659 : vector<8xf32> to vector<8x1xf32>
    %eq3A_661 = vector.broadcast %broadcast_in_dim3A_660 : vector<8x1xf32> to vector<8x10240xf32>
    %eq3A_662 = arith.cmpf oeq, %select_n3A_657, %eq3A_661 : vector<8x10240xf32>
    %jit3A_663 = arith.constant 1073741824 : i32
    %broadcast_in_dim3A_664 = vector.broadcast %jit3A_663 : i32 to vector<8x10240xi32>
    %select_n3A_665 = arith.select %eq3A_662, %iota3A, %broadcast_in_dim3A_664 : vector<8x10240xi1>, vector<8x10240xi32>
    %reduce_min3A_666 = arith.constant dense<2147483647> : vector<8xi32>
    %reduce_min3A_667 = vector.multi_reduction <minsi>, %select_n3A_665, %reduce_min3A_666 [1] : vector<8x10240xi32> to vector<8xi32>
    %broadcast_in_dim3A_668 = vector.shape_cast %reduce_min3A_667 : vector<8xi32> to vector<8x1xi32>
    %eq3A_669 = vector.broadcast %broadcast_in_dim3A_668 : vector<8x1xi32> to vector<8x10240xi32>
    %eq3A_670 = arith.cmpi eq, %iota3A, %eq3A_669 : vector<8x10240xi32>
    %jit3A_671 = arith.constant 0x7F800000 : f32
    %broadcast_in_dim3A_672 = vector.broadcast %jit3A_671 : f32 to vector<8x10240xf32>
    %select_n3A_673 = arith.select %eq3A_670, %broadcast_in_dim3A_672, %select_n3A_657 : vector<8x10240xi1>, vector<8x10240xf32>
    %reduce_min3A_674 = arith.constant dense<0x7F800000> : vector<8xf32>
    %reduce_min3A_675 = vector.multi_reduction <minimumf>, %select_n3A_673, %reduce_min3A_674 [1] : vector<8x10240xf32> to vector<8xf32>
    %broadcast_in_dim3A_676 = vector.shape_cast %reduce_min3A_675 : vector<8xf32> to vector<8x1xf32>
    %eq3A_677 = vector.broadcast %broadcast_in_dim3A_676 : vector<8x1xf32> to vector<8x10240xf32>
    %eq3A_678 = arith.cmpf oeq, %select_n3A_673, %eq3A_677 : vector<8x10240xf32>
    %jit3A_679 = arith.constant 1073741824 : i32
    %broadcast_in_dim3A_680 = vector.broadcast %jit3A_679 : i32 to vector<8x10240xi32>
    %select_n3A_681 = arith.select %eq3A_678, %iota3A, %broadcast_in_dim3A_680 : vector<8x10240xi1>, vector<8x10240xi32>
    %reduce_min3A_682 = arith.constant dense<2147483647> : vector<8xi32>
    %reduce_min3A_683 = vector.multi_reduction <minsi>, %select_n3A_681, %reduce_min3A_682 [1] : vector<8x10240xi32> to vector<8xi32>
    %broadcast_in_dim3A_684 = vector.shape_cast %reduce_min3A_683 : vector<8xi32> to vector<8x1xi32>
    %eq3A_685 = vector.broadcast %broadcast_in_dim3A_684 : vector<8x1xi32> to vector<8x10240xi32>
    %eq3A_686 = arith.cmpi eq, %iota3A, %eq3A_685 : vector<8x10240xi32>
    %jit3A_687 = arith.constant 0x7F800000 : f32
    %broadcast_in_dim3A_688 = vector.broadcast %jit3A_687 : f32 to vector<8x10240xf32>
    %select_n3A_689 = arith.select %eq3A_686, %broadcast_in_dim3A_688, %select_n3A_673 : vector<8x10240xi1>, vector<8x10240xf32>
    %reduce_min3A_690 = arith.constant dense<0x7F800000> : vector<8xf32>
    %reduce_min3A_691 = vector.multi_reduction <minimumf>, %select_n3A_689, %reduce_min3A_690 [1] : vector<8x10240xf32> to vector<8xf32>
    %broadcast_in_dim3A_692 = vector.shape_cast %reduce_min3A_691 : vector<8xf32> to vector<8x1xf32>
    %eq3A_693 = vector.broadcast %broadcast_in_dim3A_692 : vector<8x1xf32> to vector<8x10240xf32>
    %eq3A_694 = arith.cmpf oeq, %select_n3A_689, %eq3A_693 : vector<8x10240xf32>
    %jit3A_695 = arith.constant 1073741824 : i32
    %broadcast_in_dim3A_696 = vector.broadcast %jit3A_695 : i32 to vector<8x10240xi32>
    %select_n3A_697 = arith.select %eq3A_694, %iota3A, %broadcast_in_dim3A_696 : vector<8x10240xi1>, vector<8x10240xi32>
    %reduce_min3A_698 = arith.constant dense<2147483647> : vector<8xi32>
    %reduce_min3A_699 = vector.multi_reduction <minsi>, %select_n3A_697, %reduce_min3A_698 [1] : vector<8x10240xi32> to vector<8xi32>
    %broadcast_in_dim3A_700 = vector.shape_cast %reduce_min3A_699 : vector<8xi32> to vector<8x1xi32>
    %eq3A_701 = vector.broadcast %broadcast_in_dim3A_700 : vector<8x1xi32> to vector<8x10240xi32>
    %eq3A_702 = arith.cmpi eq, %iota3A, %eq3A_701 : vector<8x10240xi32>
    %jit3A_703 = arith.constant 0x7F800000 : f32
    %broadcast_in_dim3A_704 = vector.broadcast %jit3A_703 : f32 to vector<8x10240xf32>
    %select_n3A_705 = arith.select %eq3A_702, %broadcast_in_dim3A_704, %select_n3A_689 : vector<8x10240xi1>, vector<8x10240xf32>
    %reduce_min3A_706 = arith.constant dense<0x7F800000> : vector<8xf32>
    %reduce_min3A_707 = vector.multi_reduction <minimumf>, %select_n3A_705, %reduce_min3A_706 [1] : vector<8x10240xf32> to vector<8xf32>
    %broadcast_in_dim3A_708 = vector.shape_cast %reduce_min3A_707 : vector<8xf32> to vector<8x1xf32>
    %eq3A_709 = vector.broadcast %broadcast_in_dim3A_708 : vector<8x1xf32> to vector<8x10240xf32>
    %eq3A_710 = arith.cmpf oeq, %select_n3A_705, %eq3A_709 : vector<8x10240xf32>
    %jit3A_711 = arith.constant 1073741824 : i32
    %broadcast_in_dim3A_712 = vector.broadcast %jit3A_711 : i32 to vector<8x10240xi32>
    %select_n3A_713 = arith.select %eq3A_710, %iota3A, %broadcast_in_dim3A_712 : vector<8x10240xi1>, vector<8x10240xi32>
    %reduce_min3A_714 = arith.constant dense<2147483647> : vector<8xi32>
    %reduce_min3A_715 = vector.multi_reduction <minsi>, %select_n3A_713, %reduce_min3A_714 [1] : vector<8x10240xi32> to vector<8xi32>
    %broadcast_in_dim3A_716 = vector.shape_cast %reduce_min3A_715 : vector<8xi32> to vector<8x1xi32>
    %eq3A_717 = vector.broadcast %broadcast_in_dim3A_716 : vector<8x1xi32> to vector<8x10240xi32>
    %eq3A_718 = arith.cmpi eq, %iota3A, %eq3A_717 : vector<8x10240xi32>
    %jit3A_719 = arith.constant 0x7F800000 : f32
    %broadcast_in_dim3A_720 = vector.broadcast %jit3A_719 : f32 to vector<8x10240xf32>
    %select_n3A_721 = arith.select %eq3A_718, %broadcast_in_dim3A_720, %select_n3A_705 : vector<8x10240xi1>, vector<8x10240xf32>
    %reduce_min3A_722 = arith.constant dense<0x7F800000> : vector<8xf32>
    %reduce_min3A_723 = vector.multi_reduction <minimumf>, %select_n3A_721, %reduce_min3A_722 [1] : vector<8x10240xf32> to vector<8xf32>
    %broadcast_in_dim3A_724 = vector.shape_cast %reduce_min3A_723 : vector<8xf32> to vector<8x1xf32>
    %eq3A_725 = vector.broadcast %broadcast_in_dim3A_724 : vector<8x1xf32> to vector<8x10240xf32>
    %eq3A_726 = arith.cmpf oeq, %select_n3A_721, %eq3A_725 : vector<8x10240xf32>
    %jit3A_727 = arith.constant 1073741824 : i32
    %broadcast_in_dim3A_728 = vector.broadcast %jit3A_727 : i32 to vector<8x10240xi32>
    %select_n3A_729 = arith.select %eq3A_726, %iota3A, %broadcast_in_dim3A_728 : vector<8x10240xi1>, vector<8x10240xi32>
    %reduce_min3A_730 = arith.constant dense<2147483647> : vector<8xi32>
    %reduce_min3A_731 = vector.multi_reduction <minsi>, %select_n3A_729, %reduce_min3A_730 [1] : vector<8x10240xi32> to vector<8xi32>
    %broadcast_in_dim3A_732 = vector.shape_cast %reduce_min3A_731 : vector<8xi32> to vector<8x1xi32>
    %eq3A_733 = vector.broadcast %broadcast_in_dim3A_732 : vector<8x1xi32> to vector<8x10240xi32>
    %eq3A_734 = arith.cmpi eq, %iota3A, %eq3A_733 : vector<8x10240xi32>
    %jit3A_735 = arith.constant 0x7F800000 : f32
    %broadcast_in_dim3A_736 = vector.broadcast %jit3A_735 : f32 to vector<8x10240xf32>
    %select_n3A_737 = arith.select %eq3A_734, %broadcast_in_dim3A_736, %select_n3A_721 : vector<8x10240xi1>, vector<8x10240xf32>
    %reduce_min3A_738 = arith.constant dense<0x7F800000> : vector<8xf32>
    %reduce_min3A_739 = vector.multi_reduction <minimumf>, %select_n3A_737, %reduce_min3A_738 [1] : vector<8x10240xf32> to vector<8xf32>
    %broadcast_in_dim3A_740 = vector.shape_cast %reduce_min3A_739 : vector<8xf32> to vector<8x1xf32>
    %eq3A_741 = vector.broadcast %broadcast_in_dim3A_740 : vector<8x1xf32> to vector<8x10240xf32>
    %eq3A_742 = arith.cmpf oeq, %select_n3A_737, %eq3A_741 : vector<8x10240xf32>
    %jit3A_743 = arith.constant 1073741824 : i32
    %broadcast_in_dim3A_744 = vector.broadcast %jit3A_743 : i32 to vector<8x10240xi32>
    %select_n3A_745 = arith.select %eq3A_742, %iota3A, %broadcast_in_dim3A_744 : vector<8x10240xi1>, vector<8x10240xi32>
    %reduce_min3A_746 = arith.constant dense<2147483647> : vector<8xi32>
    %reduce_min3A_747 = vector.multi_reduction <minsi>, %select_n3A_745, %reduce_min3A_746 [1] : vector<8x10240xi32> to vector<8xi32>
    %broadcast_in_dim3A_748 = vector.shape_cast %reduce_min3A_747 : vector<8xi32> to vector<8x1xi32>
    %concatenate3A_749 = tpu.concatenate %broadcast_in_dim3A_628, %broadcast_in_dim3A_644, %broadcast_in_dim3A_660, %broadcast_in_dim3A_676, %broadcast_in_dim3A_692, %broadcast_in_dim3A_708, %broadcast_in_dim3A_724, %broadcast_in_dim3A_740 in 1 : vector<8x1xf32>, vector<8x1xf32>, vector<8x1xf32>, vector<8x1xf32>, vector<8x1xf32>, vector<8x1xf32>, vector<8x1xf32>, vector<8x1xf32> -> vector<8x8xf32>
    %swap3A_750 = arith.constant 0 : index
    %swap3A_751 = arith.constant 3 : index
    %swap3A_752 = arith.constant 0 : index
    %swap3A_753 = vector.load %arg4[%swap3A_750, %swap3A_751, %swap3A_752] : memref<8x8x8xf32, #tpu.memory_space<vmem>>, vector<8x1x8xf32>
    %swap3A_754 = vector.shape_cast %swap3A_753 : vector<8x1x8xf32> to vector<8x8xf32>
    %swap3A_755 = vector.shape_cast %concatenate3A_749 : vector<8x8xf32> to vector<8x1x8xf32>
    tpu.vector_store %arg4[%swap3A_750, %swap3A_751, %swap3A_752], %swap3A_755 {strides = array<i32>} : memref<8x8x8xf32, #tpu.memory_space<vmem>>, vector<8x1x8xf32>,
    %concatenate3A_756 = tpu.concatenate %broadcast_in_dim3A_636, %broadcast_in_dim3A_652, %broadcast_in_dim3A_668, %broadcast_in_dim3A_684, %broadcast_in_dim3A_700, %broadcast_in_dim3A_716, %broadcast_in_dim3A_732, %broadcast_in_dim3A_748 in 1 : vector<8x1xi32>, vector<8x1xi32>, vector<8x1xi32>, vector<8x1xi32>, vector<8x1xi32>, vector<8x1xi32>, vector<8x1xi32>, vector<8x1xi32> -> vector<8x8xi32>
    %swap3A_757 = arith.constant 0 : index
    %swap3A_758 = arith.constant 3 : index
    %swap3A_759 = arith.constant 0 : index
    %swap3A_760 = vector.load %arg5[%swap3A_757, %swap3A_758, %swap3A_759] : memref<8x8x8xi32, #tpu.memory_space<vmem>>, vector<8x1x8xi32>
    %swap3A_761 = vector.shape_cast %swap3A_760 : vector<8x1x8xi32> to vector<8x8xi32>
    %swap3A_762 = vector.shape_cast %concatenate3A_756 : vector<8x8xi32> to vector<8x1x8xi32>
    tpu.vector_store %arg5[%swap3A_757, %swap3A_758, %swap3A_759], %swap3A_762 {strides = array<i32>} : memref<8x8x8xi32, #tpu.memory_space<vmem>>, vector<8x1x8xi32>,
    %get3A_763 = arith.constant 0 : index
    %get3A_764 = arith.constant 12 : index
    %get3A_765 = vector.load %arg2[%get3A_763, %get3A_764] : memref<8x24xf32, #tpu.memory_space<vmem>>, vector<8x1xf32>
    %get3A_766 = arith.constant 0 : index
    %get3A_767 = arith.constant 13 : index
    %get3A_768 = vector.load %arg2[%get3A_766, %get3A_767] : memref<8x24xf32, #tpu.memory_space<vmem>>, vector<8x1xf32>
    %get3A_769 = arith.constant 0 : index
    %get3A_770 = arith.constant 14 : index
    %get3A_771 = vector.load %arg2[%get3A_769, %get3A_770] : memref<8x24xf32, #tpu.memory_space<vmem>>, vector<8x1xf32>
    %mul3A_772 = arith.mulf %get3A_765, %get3A_765 : vector<8x1xf32>
    %mul3A_773 = arith.mulf %get3A_768, %get3A_768 : vector<8x1xf32>
    %add3A_774 = arith.addf %mul3A_772, %mul3A_773 : vector<8x1xf32>
    %mul3A_775 = arith.mulf %get3A_771, %get3A_771 : vector<8x1xf32>
    %add3A_776 = arith.addf %add3A_774, %mul3A_775 : vector<8x1xf32>
    %sqrt3A_777 = math.sqrt %add3A_776 : vector<8x1xf32>
    %max3A_778 = arith.constant 9.99999996E-13 : f32
    %max3A_779 = vector.broadcast %max3A_778 : f32 to vector<8x1xf32>
    %max3A_780 = arith.maximumf %sqrt3A_777, %max3A_779 : vector<8x1xf32>
    %div3A_781 = arith.divf %get3A_765, %max3A_780 : vector<8x1xf32>
    %div3A_782 = arith.divf %get3A_768, %max3A_780 : vector<8x1xf32>
    %div3A_783 = arith.divf %get3A_771, %max3A_780 : vector<8x1xf32>
    %mul3A_784 = vector.broadcast %div3A_781 : vector<8x1xf32> to vector<8x10240xf32>
    %mul3A_785 = arith.mulf %mul3A_784, %div3A : vector<8x10240xf32>
    %mul3A_786 = vector.broadcast %div3A_782 : vector<8x1xf32> to vector<8x10240xf32>
    %mul3A_787 = arith.mulf %mul3A_786, %div3A_30 : vector<8x10240xf32>
    %add3A_788 = arith.addf %mul3A_785, %mul3A_787 : vector<8x10240xf32>
    %mul3A_789 = vector.broadcast %div3A_783 : vector<8x1xf32> to vector<8x10240xf32>
    %mul3A_790 = arith.mulf %mul3A_789, %div3A_31 : vector<8x10240xf32>
    %add3A_791 = arith.addf %add3A_788, %mul3A_790 : vector<8x10240xf32>
    %mul3A_792 = arith.mulf %add3A_791, %add3A_791 : vector<8x10240xf32>
    %sub3A_793 = arith.constant 1.000000e+00 : f32
    %sub3A_794 = vector.broadcast %sub3A_793 : f32 to vector<8x10240xf32>
    %sub3A_795 = arith.subf %sub3A_794, %mul3A_792 : vector<8x10240xf32>
    %max3A_796 = arith.constant 9.99999996E-13 : f32
    %max3A_797 = vector.broadcast %max3A_796 : f32 to vector<8x10240xf32>
    %max3A_798 = arith.maximumf %sub3A_795, %max3A_797 : vector<8x10240xf32>
    %sqrt3A_799 = math.sqrt %max3A_798 : vector<8x10240xf32>
    %mul3A_800 = arith.mulf %sqrt3A_799, %sqrt3A : vector<8x10240xf32>
    %lt3A_801 = arith.constant 0.865999996 : f32
    %lt3A_802 = vector.broadcast %lt3A_801 : f32 to vector<8x10240xf32>
    %lt3A_803 = arith.cmpf olt, %add3A_791, %lt3A_802 : vector<8x10240xf32>
    %jit3A_804 = arith.constant 1.000000e+08 : f32
    %broadcast_in_dim3A_805 = vector.broadcast %jit3A_804 : f32 to vector<8x10240xf32>
    %select_n3A_806 = arith.select %lt3A_803, %broadcast_in_dim3A_805, %mul3A_800 : vector<8x10240xi1>, vector<8x10240xf32>
    %jit3A_807 = arith.constant 0x7F800000 : f32
    %broadcast_in_dim3A_808 = vector.broadcast %jit3A_807 : f32 to vector<8x10240xf32>
    %select_n3A_809 = arith.select %lt3A_33, %select_n3A_806, %broadcast_in_dim3A_808 : vector<8x10240xi1>, vector<8x10240xf32>
    %reduce_min3A_810 = arith.constant dense<0x7F800000> : vector<8xf32>
    %reduce_min3A_811 = vector.multi_reduction <minimumf>, %select_n3A_809, %reduce_min3A_810 [1] : vector<8x10240xf32> to vector<8xf32>
    %broadcast_in_dim3A_812 = vector.shape_cast %reduce_min3A_811 : vector<8xf32> to vector<8x1xf32>
    %eq3A_813 = vector.broadcast %broadcast_in_dim3A_812 : vector<8x1xf32> to vector<8x10240xf32>
    %eq3A_814 = arith.cmpf oeq, %select_n3A_809, %eq3A_813 : vector<8x10240xf32>
    %jit3A_815 = arith.constant 1073741824 : i32
    %broadcast_in_dim3A_816 = vector.broadcast %jit3A_815 : i32 to vector<8x10240xi32>
    %select_n3A_817 = arith.select %eq3A_814, %iota3A, %broadcast_in_dim3A_816 : vector<8x10240xi1>, vector<8x10240xi32>
    %reduce_min3A_818 = arith.constant dense<2147483647> : vector<8xi32>
    %reduce_min3A_819 = vector.multi_reduction <minsi>, %select_n3A_817, %reduce_min3A_818 [1] : vector<8x10240xi32> to vector<8xi32>
    %broadcast_in_dim3A_820 = vector.shape_cast %reduce_min3A_819 : vector<8xi32> to vector<8x1xi32>
    %eq3A_821 = vector.broadcast %broadcast_in_dim3A_820 : vector<8x1xi32> to vector<8x10240xi32>
    %eq3A_822 = arith.cmpi eq, %iota3A, %eq3A_821 : vector<8x10240xi32>
    %jit3A_823 = arith.constant 0x7F800000 : f32
    %broadcast_in_dim3A_824 = vector.broadcast %jit3A_823 : f32 to vector<8x10240xf32>
    %select_n3A_825 = arith.select %eq3A_822, %broadcast_in_dim3A_824, %select_n3A_809 : vector<8x10240xi1>, vector<8x10240xf32>
    %reduce_min3A_826 = arith.constant dense<0x7F800000> : vector<8xf32>
    %reduce_min3A_827 = vector.multi_reduction <minimumf>, %select_n3A_825, %reduce_min3A_826 [1] : vector<8x10240xf32> to vector<8xf32>
    %broadcast_in_dim3A_828 = vector.shape_cast %reduce_min3A_827 : vector<8xf32> to vector<8x1xf32>
    %eq3A_829 = vector.broadcast %broadcast_in_dim3A_828 : vector<8x1xf32> to vector<8x10240xf32>
    %eq3A_830 = arith.cmpf oeq, %select_n3A_825, %eq3A_829 : vector<8x10240xf32>
    %jit3A_831 = arith.constant 1073741824 : i32
    %broadcast_in_dim3A_832 = vector.broadcast %jit3A_831 : i32 to vector<8x10240xi32>
    %select_n3A_833 = arith.select %eq3A_830, %iota3A, %broadcast_in_dim3A_832 : vector<8x10240xi1>, vector<8x10240xi32>
    %reduce_min3A_834 = arith.constant dense<2147483647> : vector<8xi32>
    %reduce_min3A_835 = vector.multi_reduction <minsi>, %select_n3A_833, %reduce_min3A_834 [1] : vector<8x10240xi32> to vector<8xi32>
    %broadcast_in_dim3A_836 = vector.shape_cast %reduce_min3A_835 : vector<8xi32> to vector<8x1xi32>
    %eq3A_837 = vector.broadcast %broadcast_in_dim3A_836 : vector<8x1xi32> to vector<8x10240xi32>
    %eq3A_838 = arith.cmpi eq, %iota3A, %eq3A_837 : vector<8x10240xi32>
    %jit3A_839 = arith.constant 0x7F800000 : f32
    %broadcast_in_dim3A_840 = vector.broadcast %jit3A_839 : f32 to vector<8x10240xf32>
    %select_n3A_841 = arith.select %eq3A_838, %broadcast_in_dim3A_840, %select_n3A_825 : vector<8x10240xi1>, vector<8x10240xf32>
    %reduce_min3A_842 = arith.constant dense<0x7F800000> : vector<8xf32>
    %reduce_min3A_843 = vector.multi_reduction <minimumf>, %select_n3A_841, %reduce_min3A_842 [1] : vector<8x10240xf32> to vector<8xf32>
    %broadcast_in_dim3A_844 = vector.shape_cast %reduce_min3A_843 : vector<8xf32> to vector<8x1xf32>
    %eq3A_845 = vector.broadcast %broadcast_in_dim3A_844 : vector<8x1xf32> to vector<8x10240xf32>
    %eq3A_846 = arith.cmpf oeq, %select_n3A_841, %eq3A_845 : vector<8x10240xf32>
    %jit3A_847 = arith.constant 1073741824 : i32
    %broadcast_in_dim3A_848 = vector.broadcast %jit3A_847 : i32 to vector<8x10240xi32>
    %select_n3A_849 = arith.select %eq3A_846, %iota3A, %broadcast_in_dim3A_848 : vector<8x10240xi1>, vector<8x10240xi32>
    %reduce_min3A_850 = arith.constant dense<2147483647> : vector<8xi32>
    %reduce_min3A_851 = vector.multi_reduction <minsi>, %select_n3A_849, %reduce_min3A_850 [1] : vector<8x10240xi32> to vector<8xi32>
    %broadcast_in_dim3A_852 = vector.shape_cast %reduce_min3A_851 : vector<8xi32> to vector<8x1xi32>
    %eq3A_853 = vector.broadcast %broadcast_in_dim3A_852 : vector<8x1xi32> to vector<8x10240xi32>
    %eq3A_854 = arith.cmpi eq, %iota3A, %eq3A_853 : vector<8x10240xi32>
    %jit3A_855 = arith.constant 0x7F800000 : f32
    %broadcast_in_dim3A_856 = vector.broadcast %jit3A_855 : f32 to vector<8x10240xf32>
    %select_n3A_857 = arith.select %eq3A_854, %broadcast_in_dim3A_856, %select_n3A_841 : vector<8x10240xi1>, vector<8x10240xf32>
    %reduce_min3A_858 = arith.constant dense<0x7F800000> : vector<8xf32>
    %reduce_min3A_859 = vector.multi_reduction <minimumf>, %select_n3A_857, %reduce_min3A_858 [1] : vector<8x10240xf32> to vector<8xf32>
    %broadcast_in_dim3A_860 = vector.shape_cast %reduce_min3A_859 : vector<8xf32> to vector<8x1xf32>
    %eq3A_861 = vector.broadcast %broadcast_in_dim3A_860 : vector<8x1xf32> to vector<8x10240xf32>
    %eq3A_862 = arith.cmpf oeq, %select_n3A_857, %eq3A_861 : vector<8x10240xf32>
    %jit3A_863 = arith.constant 1073741824 : i32
    %broadcast_in_dim3A_864 = vector.broadcast %jit3A_863 : i32 to vector<8x10240xi32>
    %select_n3A_865 = arith.select %eq3A_862, %iota3A, %broadcast_in_dim3A_864 : vector<8x10240xi1>, vector<8x10240xi32>
    %reduce_min3A_866 = arith.constant dense<2147483647> : vector<8xi32>
    %reduce_min3A_867 = vector.multi_reduction <minsi>, %select_n3A_865, %reduce_min3A_866 [1] : vector<8x10240xi32> to vector<8xi32>
    %broadcast_in_dim3A_868 = vector.shape_cast %reduce_min3A_867 : vector<8xi32> to vector<8x1xi32>
    %eq3A_869 = vector.broadcast %broadcast_in_dim3A_868 : vector<8x1xi32> to vector<8x10240xi32>
    %eq3A_870 = arith.cmpi eq, %iota3A, %eq3A_869 : vector<8x10240xi32>
    %jit3A_871 = arith.constant 0x7F800000 : f32
    %broadcast_in_dim3A_872 = vector.broadcast %jit3A_871 : f32 to vector<8x10240xf32>
    %select_n3A_873 = arith.select %eq3A_870, %broadcast_in_dim3A_872, %select_n3A_857 : vector<8x10240xi1>, vector<8x10240xf32>
    %reduce_min3A_874 = arith.constant dense<0x7F800000> : vector<8xf32>
    %reduce_min3A_875 = vector.multi_reduction <minimumf>, %select_n3A_873, %reduce_min3A_874 [1] : vector<8x10240xf32> to vector<8xf32>
    %broadcast_in_dim3A_876 = vector.shape_cast %reduce_min3A_875 : vector<8xf32> to vector<8x1xf32>
    %eq3A_877 = vector.broadcast %broadcast_in_dim3A_876 : vector<8x1xf32> to vector<8x10240xf32>
    %eq3A_878 = arith.cmpf oeq, %select_n3A_873, %eq3A_877 : vector<8x10240xf32>
    %jit3A_879 = arith.constant 1073741824 : i32
    %broadcast_in_dim3A_880 = vector.broadcast %jit3A_879 : i32 to vector<8x10240xi32>
    %select_n3A_881 = arith.select %eq3A_878, %iota3A, %broadcast_in_dim3A_880 : vector<8x10240xi1>, vector<8x10240xi32>
    %reduce_min3A_882 = arith.constant dense<2147483647> : vector<8xi32>
    %reduce_min3A_883 = vector.multi_reduction <minsi>, %select_n3A_881, %reduce_min3A_882 [1] : vector<8x10240xi32> to vector<8xi32>
    %broadcast_in_dim3A_884 = vector.shape_cast %reduce_min3A_883 : vector<8xi32> to vector<8x1xi32>
    %eq3A_885 = vector.broadcast %broadcast_in_dim3A_884 : vector<8x1xi32> to vector<8x10240xi32>
    %eq3A_886 = arith.cmpi eq, %iota3A, %eq3A_885 : vector<8x10240xi32>
    %jit3A_887 = arith.constant 0x7F800000 : f32
    %broadcast_in_dim3A_888 = vector.broadcast %jit3A_887 : f32 to vector<8x10240xf32>
    %select_n3A_889 = arith.select %eq3A_886, %broadcast_in_dim3A_888, %select_n3A_873 : vector<8x10240xi1>, vector<8x10240xf32>
    %reduce_min3A_890 = arith.constant dense<0x7F800000> : vector<8xf32>
    %reduce_min3A_891 = vector.multi_reduction <minimumf>, %select_n3A_889, %reduce_min3A_890 [1] : vector<8x10240xf32> to vector<8xf32>
    %broadcast_in_dim3A_892 = vector.shape_cast %reduce_min3A_891 : vector<8xf32> to vector<8x1xf32>
    %eq3A_893 = vector.broadcast %broadcast_in_dim3A_892 : vector<8x1xf32> to vector<8x10240xf32>
    %eq3A_894 = arith.cmpf oeq, %select_n3A_889, %eq3A_893 : vector<8x10240xf32>
    %jit3A_895 = arith.constant 1073741824 : i32
    %broadcast_in_dim3A_896 = vector.broadcast %jit3A_895 : i32 to vector<8x10240xi32>
    %select_n3A_897 = arith.select %eq3A_894, %iota3A, %broadcast_in_dim3A_896 : vector<8x10240xi1>, vector<8x10240xi32>
    %reduce_min3A_898 = arith.constant dense<2147483647> : vector<8xi32>
    %reduce_min3A_899 = vector.multi_reduction <minsi>, %select_n3A_897, %reduce_min3A_898 [1] : vector<8x10240xi32> to vector<8xi32>
    %broadcast_in_dim3A_900 = vector.shape_cast %reduce_min3A_899 : vector<8xi32> to vector<8x1xi32>
    %eq3A_901 = vector.broadcast %broadcast_in_dim3A_900 : vector<8x1xi32> to vector<8x10240xi32>
    %eq3A_902 = arith.cmpi eq, %iota3A, %eq3A_901 : vector<8x10240xi32>
    %jit3A_903 = arith.constant 0x7F800000 : f32
    %broadcast_in_dim3A_904 = vector.broadcast %jit3A_903 : f32 to vector<8x10240xf32>
    %select_n3A_905 = arith.select %eq3A_902, %broadcast_in_dim3A_904, %select_n3A_889 : vector<8x10240xi1>, vector<8x10240xf32>
    %reduce_min3A_906 = arith.constant dense<0x7F800000> : vector<8xf32>
    %reduce_min3A_907 = vector.multi_reduction <minimumf>, %select_n3A_905, %reduce_min3A_906 [1] : vector<8x10240xf32> to vector<8xf32>
    %broadcast_in_dim3A_908 = vector.shape_cast %reduce_min3A_907 : vector<8xf32> to vector<8x1xf32>
    %eq3A_909 = vector.broadcast %broadcast_in_dim3A_908 : vector<8x1xf32> to vector<8x10240xf32>
    %eq3A_910 = arith.cmpf oeq, %select_n3A_905, %eq3A_909 : vector<8x10240xf32>
    %jit3A_911 = arith.constant 1073741824 : i32
    %broadcast_in_dim3A_912 = vector.broadcast %jit3A_911 : i32 to vector<8x10240xi32>
    %select_n3A_913 = arith.select %eq3A_910, %iota3A, %broadcast_in_dim3A_912 : vector<8x10240xi1>, vector<8x10240xi32>
    %reduce_min3A_914 = arith.constant dense<2147483647> : vector<8xi32>
    %reduce_min3A_915 = vector.multi_reduction <minsi>, %select_n3A_913, %reduce_min3A_914 [1] : vector<8x10240xi32> to vector<8xi32>
    %broadcast_in_dim3A_916 = vector.shape_cast %reduce_min3A_915 : vector<8xi32> to vector<8x1xi32>
    %eq3A_917 = vector.broadcast %broadcast_in_dim3A_916 : vector<8x1xi32> to vector<8x10240xi32>
    %eq3A_918 = arith.cmpi eq, %iota3A, %eq3A_917 : vector<8x10240xi32>
    %jit3A_919 = arith.constant 0x7F800000 : f32
    %broadcast_in_dim3A_920 = vector.broadcast %jit3A_919 : f32 to vector<8x10240xf32>
    %select_n3A_921 = arith.select %eq3A_918, %broadcast_in_dim3A_920, %select_n3A_905 : vector<8x10240xi1>, vector<8x10240xf32>
    %reduce_min3A_922 = arith.constant dense<0x7F800000> : vector<8xf32>
    %reduce_min3A_923 = vector.multi_reduction <minimumf>, %select_n3A_921, %reduce_min3A_922 [1] : vector<8x10240xf32> to vector<8xf32>
    %broadcast_in_dim3A_924 = vector.shape_cast %reduce_min3A_923 : vector<8xf32> to vector<8x1xf32>
    %eq3A_925 = vector.broadcast %broadcast_in_dim3A_924 : vector<8x1xf32> to vector<8x10240xf32>
    %eq3A_926 = arith.cmpf oeq, %select_n3A_921, %eq3A_925 : vector<8x10240xf32>
    %jit3A_927 = arith.constant 1073741824 : i32
    %broadcast_in_dim3A_928 = vector.broadcast %jit3A_927 : i32 to vector<8x10240xi32>
    %select_n3A_929 = arith.select %eq3A_926, %iota3A, %broadcast_in_dim3A_928 : vector<8x10240xi1>, vector<8x10240xi32>
    %reduce_min3A_930 = arith.constant dense<2147483647> : vector<8xi32>
    %reduce_min3A_931 = vector.multi_reduction <minsi>, %select_n3A_929, %reduce_min3A_930 [1] : vector<8x10240xi32> to vector<8xi32>
    %broadcast_in_dim3A_932 = vector.shape_cast %reduce_min3A_931 : vector<8xi32> to vector<8x1xi32>
    %concatenate3A_933 = tpu.concatenate %broadcast_in_dim3A_812, %broadcast_in_dim3A_828, %broadcast_in_dim3A_844, %broadcast_in_dim3A_860, %broadcast_in_dim3A_876, %broadcast_in_dim3A_892, %broadcast_in_dim3A_908, %broadcast_in_dim3A_924 in 1 : vector<8x1xf32>, vector<8x1xf32>, vector<8x1xf32>, vector<8x1xf32>, vector<8x1xf32>, vector<8x1xf32>, vector<8x1xf32>, vector<8x1xf32> -> vector<8x8xf32>
    %swap3A_934 = arith.constant 0 : index
    %swap3A_935 = arith.constant 4 : index
    %swap3A_936 = arith.constant 0 : index
    %swap3A_937 = vector.load %arg4[%swap3A_934, %swap3A_935, %swap3A_936] : memref<8x8x8xf32, #tpu.memory_space<vmem>>, vector<8x1x8xf32>
    %swap3A_938 = vector.shape_cast %swap3A_937 : vector<8x1x8xf32> to vector<8x8xf32>
    %swap3A_939 = vector.shape_cast %concatenate3A_933 : vector<8x8xf32> to vector<8x1x8xf32>
    tpu.vector_store %arg4[%swap3A_934, %swap3A_935, %swap3A_936], %swap3A_939 {strides = array<i32>} : memref<8x8x8xf32, #tpu.memory_space<vmem>>, vector<8x1x8xf32>,
    %concatenate3A_940 = tpu.concatenate %broadcast_in_dim3A_820, %broadcast_in_dim3A_836, %broadcast_in_dim3A_852, %broadcast_in_dim3A_868, %broadcast_in_dim3A_884, %broadcast_in_dim3A_900, %broadcast_in_dim3A_916, %broadcast_in_dim3A_932 in 1 : vector<8x1xi32>, vector<8x1xi32>, vector<8x1xi32>, vector<8x1xi32>, vector<8x1xi32>, vector<8x1xi32>, vector<8x1xi32>, vector<8x1xi32> -> vector<8x8xi32>
    %swap3A_941 = arith.constant 0 : index
    %swap3A_942 = arith.constant 4 : index
    %swap3A_943 = arith.constant 0 : index
    %swap3A_944 = vector.load %arg5[%swap3A_941, %swap3A_942, %swap3A_943] : memref<8x8x8xi32, #tpu.memory_space<vmem>>, vector<8x1x8xi32>
    %swap3A_945 = vector.shape_cast %swap3A_944 : vector<8x1x8xi32> to vector<8x8xi32>
    %swap3A_946 = vector.shape_cast %concatenate3A_940 : vector<8x8xi32> to vector<8x1x8xi32>
    tpu.vector_store %arg5[%swap3A_941, %swap3A_942, %swap3A_943], %swap3A_946 {strides = array<i32>} : memref<8x8x8xi32, #tpu.memory_space<vmem>>, vector<8x1x8xi32>,
    %get3A_947 = arith.constant 0 : index
    %get3A_948 = arith.constant 15 : index
    %get3A_949 = vector.load %arg2[%get3A_947, %get3A_948] : memref<8x24xf32, #tpu.memory_space<vmem>>, vector<8x1xf32>
    %get3A_950 = arith.constant 0 : index
    %get3A_951 = arith.constant 16 : index
    %get3A_952 = vector.load %arg2[%get3A_950, %get3A_951] : memref<8x24xf32, #tpu.memory_space<vmem>>, vector<8x1xf32>
    %get3A_953 = arith.constant 0 : index
    %get3A_954 = arith.constant 17 : index
    %get3A_955 = vector.load %arg2[%get3A_953, %get3A_954] : memref<8x24xf32, #tpu.memory_space<vmem>>, vector<8x1xf32>
    %mul3A_956 = arith.mulf %get3A_949, %get3A_949 : vector<8x1xf32>
    %mul3A_957 = arith.mulf %get3A_952, %get3A_952 : vector<8x1xf32>
    %add3A_958 = arith.addf %mul3A_956, %mul3A_957 : vector<8x1xf32>
    %mul3A_959 = arith.mulf %get3A_955, %get3A_955 : vector<8x1xf32>
    %add3A_960 = arith.addf %add3A_958, %mul3A_959 : vector<8x1xf32>
    %sqrt3A_961 = math.sqrt %add3A_960 : vector<8x1xf32>
    %max3A_962 = arith.constant 9.99999996E-13 : f32
    %max3A_963 = vector.broadcast %max3A_962 : f32 to vector<8x1xf32>
    %max3A_964 = arith.maximumf %sqrt3A_961, %max3A_963 : vector<8x1xf32>
    %div3A_965 = arith.divf %get3A_949, %max3A_964 : vector<8x1xf32>
    %div3A_966 = arith.divf %get3A_952, %max3A_964 : vector<8x1xf32>
    %div3A_967 = arith.divf %get3A_955, %max3A_964 : vector<8x1xf32>
    %mul3A_968 = vector.broadcast %div3A_965 : vector<8x1xf32> to vector<8x10240xf32>
    %mul3A_969 = arith.mulf %mul3A_968, %div3A : vector<8x10240xf32>
    %mul3A_970 = vector.broadcast %div3A_966 : vector<8x1xf32> to vector<8x10240xf32>
    %mul3A_971 = arith.mulf %mul3A_970, %div3A_30 : vector<8x10240xf32>
    %add3A_972 = arith.addf %mul3A_969, %mul3A_971 : vector<8x10240xf32>
    %mul3A_973 = vector.broadcast %div3A_967 : vector<8x1xf32> to vector<8x10240xf32>
    %mul3A_974 = arith.mulf %mul3A_973, %div3A_31 : vector<8x10240xf32>
    %add3A_975 = arith.addf %add3A_972, %mul3A_974 : vector<8x10240xf32>
    %mul3A_976 = arith.mulf %add3A_975, %add3A_975 : vector<8x10240xf32>
    %sub3A_977 = arith.constant 1.000000e+00 : f32
    %sub3A_978 = vector.broadcast %sub3A_977 : f32 to vector<8x10240xf32>
    %sub3A_979 = arith.subf %sub3A_978, %mul3A_976 : vector<8x10240xf32>
    %max3A_980 = arith.constant 9.99999996E-13 : f32
    %max3A_981 = vector.broadcast %max3A_980 : f32 to vector<8x10240xf32>
    %max3A_982 = arith.maximumf %sub3A_979, %max3A_981 : vector<8x10240xf32>
    %sqrt3A_983 = math.sqrt %max3A_982 : vector<8x10240xf32>
    %mul3A_984 = arith.mulf %sqrt3A_983, %sqrt3A : vector<8x10240xf32>
    %lt3A_985 = arith.constant 0.865999996 : f32
    %lt3A_986 = vector.broadcast %lt3A_985 : f32 to vector<8x10240xf32>
    %lt3A_987 = arith.cmpf olt, %add3A_975, %lt3A_986 : vector<8x10240xf32>
    %jit3A_988 = arith.constant 1.000000e+08 : f32
    %broadcast_in_dim3A_989 = vector.broadcast %jit3A_988 : f32 to vector<8x10240xf32>
    %select_n3A_990 = arith.select %lt3A_987, %broadcast_in_dim3A_989, %mul3A_984 : vector<8x10240xi1>, vector<8x10240xf32>
    %jit3A_991 = arith.constant 0x7F800000 : f32
    %broadcast_in_dim3A_992 = vector.broadcast %jit3A_991 : f32 to vector<8x10240xf32>
    %select_n3A_993 = arith.select %lt3A_33, %select_n3A_990, %broadcast_in_dim3A_992 : vector<8x10240xi1>, vector<8x10240xf32>
    %reduce_min3A_994 = arith.constant dense<0x7F800000> : vector<8xf32>
    %reduce_min3A_995 = vector.multi_reduction <minimumf>, %select_n3A_993, %reduce_min3A_994 [1] : vector<8x10240xf32> to vector<8xf32>
    %broadcast_in_dim3A_996 = vector.shape_cast %reduce_min3A_995 : vector<8xf32> to vector<8x1xf32>
    %eq3A_997 = vector.broadcast %broadcast_in_dim3A_996 : vector<8x1xf32> to vector<8x10240xf32>
    %eq3A_998 = arith.cmpf oeq, %select_n3A_993, %eq3A_997 : vector<8x10240xf32>
    %jit3A_999 = arith.constant 1073741824 : i32
    %broadcast_in_dim3A_1000 = vector.broadcast %jit3A_999 : i32 to vector<8x10240xi32>
    %select_n3A_1001 = arith.select %eq3A_998, %iota3A, %broadcast_in_dim3A_1000 : vector<8x10240xi1>, vector<8x10240xi32>
    %reduce_min3A_1002 = arith.constant dense<2147483647> : vector<8xi32>
    %reduce_min3A_1003 = vector.multi_reduction <minsi>, %select_n3A_1001, %reduce_min3A_1002 [1] : vector<8x10240xi32> to vector<8xi32>
    %broadcast_in_dim3A_1004 = vector.shape_cast %reduce_min3A_1003 : vector<8xi32> to vector<8x1xi32>
    %eq3A_1005 = vector.broadcast %broadcast_in_dim3A_1004 : vector<8x1xi32> to vector<8x10240xi32>
    %eq3A_1006 = arith.cmpi eq, %iota3A, %eq3A_1005 : vector<8x10240xi32>
    %jit3A_1007 = arith.constant 0x7F800000 : f32
    %broadcast_in_dim3A_1008 = vector.broadcast %jit3A_1007 : f32 to vector<8x10240xf32>
    %select_n3A_1009 = arith.select %eq3A_1006, %broadcast_in_dim3A_1008, %select_n3A_993 : vector<8x10240xi1>, vector<8x10240xf32>
    %reduce_min3A_1010 = arith.constant dense<0x7F800000> : vector<8xf32>
    %reduce_min3A_1011 = vector.multi_reduction <minimumf>, %select_n3A_1009, %reduce_min3A_1010 [1] : vector<8x10240xf32> to vector<8xf32>
    %broadcast_in_dim3A_1012 = vector.shape_cast %reduce_min3A_1011 : vector<8xf32> to vector<8x1xf32>
    %eq3A_1013 = vector.broadcast %broadcast_in_dim3A_1012 : vector<8x1xf32> to vector<8x10240xf32>
    %eq3A_1014 = arith.cmpf oeq, %select_n3A_1009, %eq3A_1013 : vector<8x10240xf32>
    %jit3A_1015 = arith.constant 1073741824 : i32
    %broadcast_in_dim3A_1016 = vector.broadcast %jit3A_1015 : i32 to vector<8x10240xi32>
    %select_n3A_1017 = arith.select %eq3A_1014, %iota3A, %broadcast_in_dim3A_1016 : vector<8x10240xi1>, vector<8x10240xi32>
    %reduce_min3A_1018 = arith.constant dense<2147483647> : vector<8xi32>
    %reduce_min3A_1019 = vector.multi_reduction <minsi>, %select_n3A_1017, %reduce_min3A_1018 [1] : vector<8x10240xi32> to vector<8xi32>
    %broadcast_in_dim3A_1020 = vector.shape_cast %reduce_min3A_1019 : vector<8xi32> to vector<8x1xi32>
    %eq3A_1021 = vector.broadcast %broadcast_in_dim3A_1020 : vector<8x1xi32> to vector<8x10240xi32>
    %eq3A_1022 = arith.cmpi eq, %iota3A, %eq3A_1021 : vector<8x10240xi32>
    %jit3A_1023 = arith.constant 0x7F800000 : f32
    %broadcast_in_dim3A_1024 = vector.broadcast %jit3A_1023 : f32 to vector<8x10240xf32>
    %select_n3A_1025 = arith.select %eq3A_1022, %broadcast_in_dim3A_1024, %select_n3A_1009 : vector<8x10240xi1>, vector<8x10240xf32>
    %reduce_min3A_1026 = arith.constant dense<0x7F800000> : vector<8xf32>
    %reduce_min3A_1027 = vector.multi_reduction <minimumf>, %select_n3A_1025, %reduce_min3A_1026 [1] : vector<8x10240xf32> to vector<8xf32>
    %broadcast_in_dim3A_1028 = vector.shape_cast %reduce_min3A_1027 : vector<8xf32> to vector<8x1xf32>
    %eq3A_1029 = vector.broadcast %broadcast_in_dim3A_1028 : vector<8x1xf32> to vector<8x10240xf32>
    %eq3A_1030 = arith.cmpf oeq, %select_n3A_1025, %eq3A_1029 : vector<8x10240xf32>
    %jit3A_1031 = arith.constant 1073741824 : i32
    %broadcast_in_dim3A_1032 = vector.broadcast %jit3A_1031 : i32 to vector<8x10240xi32>
    %select_n3A_1033 = arith.select %eq3A_1030, %iota3A, %broadcast_in_dim3A_1032 : vector<8x10240xi1>, vector<8x10240xi32>
    %reduce_min3A_1034 = arith.constant dense<2147483647> : vector<8xi32>
    %reduce_min3A_1035 = vector.multi_reduction <minsi>, %select_n3A_1033, %reduce_min3A_1034 [1] : vector<8x10240xi32> to vector<8xi32>
    %broadcast_in_dim3A_1036 = vector.shape_cast %reduce_min3A_1035 : vector<8xi32> to vector<8x1xi32>
    %eq3A_1037 = vector.broadcast %broadcast_in_dim3A_1036 : vector<8x1xi32> to vector<8x10240xi32>
    %eq3A_1038 = arith.cmpi eq, %iota3A, %eq3A_1037 : vector<8x10240xi32>
    %jit3A_1039 = arith.constant 0x7F800000 : f32
    %broadcast_in_dim3A_1040 = vector.broadcast %jit3A_1039 : f32 to vector<8x10240xf32>
    %select_n3A_1041 = arith.select %eq3A_1038, %broadcast_in_dim3A_1040, %select_n3A_1025 : vector<8x10240xi1>, vector<8x10240xf32>
    %reduce_min3A_1042 = arith.constant dense<0x7F800000> : vector<8xf32>
    %reduce_min3A_1043 = vector.multi_reduction <minimumf>, %select_n3A_1041, %reduce_min3A_1042 [1] : vector<8x10240xf32> to vector<8xf32>
    %broadcast_in_dim3A_1044 = vector.shape_cast %reduce_min3A_1043 : vector<8xf32> to vector<8x1xf32>
    %eq3A_1045 = vector.broadcast %broadcast_in_dim3A_1044 : vector<8x1xf32> to vector<8x10240xf32>
    %eq3A_1046 = arith.cmpf oeq, %select_n3A_1041, %eq3A_1045 : vector<8x10240xf32>
    %jit3A_1047 = arith.constant 1073741824 : i32
    %broadcast_in_dim3A_1048 = vector.broadcast %jit3A_1047 : i32 to vector<8x10240xi32>
    %select_n3A_1049 = arith.select %eq3A_1046, %iota3A, %broadcast_in_dim3A_1048 : vector<8x10240xi1>, vector<8x10240xi32>
    %reduce_min3A_1050 = arith.constant dense<2147483647> : vector<8xi32>
    %reduce_min3A_1051 = vector.multi_reduction <minsi>, %select_n3A_1049, %reduce_min3A_1050 [1] : vector<8x10240xi32> to vector<8xi32>
    %broadcast_in_dim3A_1052 = vector.shape_cast %reduce_min3A_1051 : vector<8xi32> to vector<8x1xi32>
    %eq3A_1053 = vector.broadcast %broadcast_in_dim3A_1052 : vector<8x1xi32> to vector<8x10240xi32>
    %eq3A_1054 = arith.cmpi eq, %iota3A, %eq3A_1053 : vector<8x10240xi32>
    %jit3A_1055 = arith.constant 0x7F800000 : f32
    %broadcast_in_dim3A_1056 = vector.broadcast %jit3A_1055 : f32 to vector<8x10240xf32>
    %select_n3A_1057 = arith.select %eq3A_1054, %broadcast_in_dim3A_1056, %select_n3A_1041 : vector<8x10240xi1>, vector<8x10240xf32>
    %reduce_min3A_1058 = arith.constant dense<0x7F800000> : vector<8xf32>
    %reduce_min3A_1059 = vector.multi_reduction <minimumf>, %select_n3A_1057, %reduce_min3A_1058 [1] : vector<8x10240xf32> to vector<8xf32>
    %broadcast_in_dim3A_1060 = vector.shape_cast %reduce_min3A_1059 : vector<8xf32> to vector<8x1xf32>
    %eq3A_1061 = vector.broadcast %broadcast_in_dim3A_1060 : vector<8x1xf32> to vector<8x10240xf32>
    %eq3A_1062 = arith.cmpf oeq, %select_n3A_1057, %eq3A_1061 : vector<8x10240xf32>
    %jit3A_1063 = arith.constant 1073741824 : i32
    %broadcast_in_dim3A_1064 = vector.broadcast %jit3A_1063 : i32 to vector<8x10240xi32>
    %select_n3A_1065 = arith.select %eq3A_1062, %iota3A, %broadcast_in_dim3A_1064 : vector<8x10240xi1>, vector<8x10240xi32>
    %reduce_min3A_1066 = arith.constant dense<2147483647> : vector<8xi32>
    %reduce_min3A_1067 = vector.multi_reduction <minsi>, %select_n3A_1065, %reduce_min3A_1066 [1] : vector<8x10240xi32> to vector<8xi32>
    %broadcast_in_dim3A_1068 = vector.shape_cast %reduce_min3A_1067 : vector<8xi32> to vector<8x1xi32>
    %eq3A_1069 = vector.broadcast %broadcast_in_dim3A_1068 : vector<8x1xi32> to vector<8x10240xi32>
    %eq3A_1070 = arith.cmpi eq, %iota3A, %eq3A_1069 : vector<8x10240xi32>
    %jit3A_1071 = arith.constant 0x7F800000 : f32
    %broadcast_in_dim3A_1072 = vector.broadcast %jit3A_1071 : f32 to vector<8x10240xf32>
    %select_n3A_1073 = arith.select %eq3A_1070, %broadcast_in_dim3A_1072, %select_n3A_1057 : vector<8x10240xi1>, vector<8x10240xf32>
    %reduce_min3A_1074 = arith.constant dense<0x7F800000> : vector<8xf32>
    %reduce_min3A_1075 = vector.multi_reduction <minimumf>, %select_n3A_1073, %reduce_min3A_1074 [1] : vector<8x10240xf32> to vector<8xf32>
    %broadcast_in_dim3A_1076 = vector.shape_cast %reduce_min3A_1075 : vector<8xf32> to vector<8x1xf32>
    %eq3A_1077 = vector.broadcast %broadcast_in_dim3A_1076 : vector<8x1xf32> to vector<8x10240xf32>
    %eq3A_1078 = arith.cmpf oeq, %select_n3A_1073, %eq3A_1077 : vector<8x10240xf32>
    %jit3A_1079 = arith.constant 1073741824 : i32
    %broadcast_in_dim3A_1080 = vector.broadcast %jit3A_1079 : i32 to vector<8x10240xi32>
    %select_n3A_1081 = arith.select %eq3A_1078, %iota3A, %broadcast_in_dim3A_1080 : vector<8x10240xi1>, vector<8x10240xi32>
    %reduce_min3A_1082 = arith.constant dense<2147483647> : vector<8xi32>
    %reduce_min3A_1083 = vector.multi_reduction <minsi>, %select_n3A_1081, %reduce_min3A_1082 [1] : vector<8x10240xi32> to vector<8xi32>
    %broadcast_in_dim3A_1084 = vector.shape_cast %reduce_min3A_1083 : vector<8xi32> to vector<8x1xi32>
    %eq3A_1085 = vector.broadcast %broadcast_in_dim3A_1084 : vector<8x1xi32> to vector<8x10240xi32>
    %eq3A_1086 = arith.cmpi eq, %iota3A, %eq3A_1085 : vector<8x10240xi32>
    %jit3A_1087 = arith.constant 0x7F800000 : f32
    %broadcast_in_dim3A_1088 = vector.broadcast %jit3A_1087 : f32 to vector<8x10240xf32>
    %select_n3A_1089 = arith.select %eq3A_1086, %broadcast_in_dim3A_1088, %select_n3A_1073 : vector<8x10240xi1>, vector<8x10240xf32>
    %reduce_min3A_1090 = arith.constant dense<0x7F800000> : vector<8xf32>
    %reduce_min3A_1091 = vector.multi_reduction <minimumf>, %select_n3A_1089, %reduce_min3A_1090 [1] : vector<8x10240xf32> to vector<8xf32>
    %broadcast_in_dim3A_1092 = vector.shape_cast %reduce_min3A_1091 : vector<8xf32> to vector<8x1xf32>
    %eq3A_1093 = vector.broadcast %broadcast_in_dim3A_1092 : vector<8x1xf32> to vector<8x10240xf32>
    %eq3A_1094 = arith.cmpf oeq, %select_n3A_1089, %eq3A_1093 : vector<8x10240xf32>
    %jit3A_1095 = arith.constant 1073741824 : i32
    %broadcast_in_dim3A_1096 = vector.broadcast %jit3A_1095 : i32 to vector<8x10240xi32>
    %select_n3A_1097 = arith.select %eq3A_1094, %iota3A, %broadcast_in_dim3A_1096 : vector<8x10240xi1>, vector<8x10240xi32>
    %reduce_min3A_1098 = arith.constant dense<2147483647> : vector<8xi32>
    %reduce_min3A_1099 = vector.multi_reduction <minsi>, %select_n3A_1097, %reduce_min3A_1098 [1] : vector<8x10240xi32> to vector<8xi32>
    %broadcast_in_dim3A_1100 = vector.shape_cast %reduce_min3A_1099 : vector<8xi32> to vector<8x1xi32>
    %eq3A_1101 = vector.broadcast %broadcast_in_dim3A_1100 : vector<8x1xi32> to vector<8x10240xi32>
    %eq3A_1102 = arith.cmpi eq, %iota3A, %eq3A_1101 : vector<8x10240xi32>
    %jit3A_1103 = arith.constant 0x7F800000 : f32
    %broadcast_in_dim3A_1104 = vector.broadcast %jit3A_1103 : f32 to vector<8x10240xf32>
    %select_n3A_1105 = arith.select %eq3A_1102, %broadcast_in_dim3A_1104, %select_n3A_1089 : vector<8x10240xi1>, vector<8x10240xf32>
    %reduce_min3A_1106 = arith.constant dense<0x7F800000> : vector<8xf32>
    %reduce_min3A_1107 = vector.multi_reduction <minimumf>, %select_n3A_1105, %reduce_min3A_1106 [1] : vector<8x10240xf32> to vector<8xf32>
    %broadcast_in_dim3A_1108 = vector.shape_cast %reduce_min3A_1107 : vector<8xf32> to vector<8x1xf32>
    %eq3A_1109 = vector.broadcast %broadcast_in_dim3A_1108 : vector<8x1xf32> to vector<8x10240xf32>
    %eq3A_1110 = arith.cmpf oeq, %select_n3A_1105, %eq3A_1109 : vector<8x10240xf32>
    %jit3A_1111 = arith.constant 1073741824 : i32
    %broadcast_in_dim3A_1112 = vector.broadcast %jit3A_1111 : i32 to vector<8x10240xi32>
    %select_n3A_1113 = arith.select %eq3A_1110, %iota3A, %broadcast_in_dim3A_1112 : vector<8x10240xi1>, vector<8x10240xi32>
    %reduce_min3A_1114 = arith.constant dense<2147483647> : vector<8xi32>
    %reduce_min3A_1115 = vector.multi_reduction <minsi>, %select_n3A_1113, %reduce_min3A_1114 [1] : vector<8x10240xi32> to vector<8xi32>
    %broadcast_in_dim3A_1116 = vector.shape_cast %reduce_min3A_1115 : vector<8xi32> to vector<8x1xi32>
    %concatenate3A_1117 = tpu.concatenate %broadcast_in_dim3A_996, %broadcast_in_dim3A_1012, %broadcast_in_dim3A_1028, %broadcast_in_dim3A_1044, %broadcast_in_dim3A_1060, %broadcast_in_dim3A_1076, %broadcast_in_dim3A_1092, %broadcast_in_dim3A_1108 in 1 : vector<8x1xf32>, vector<8x1xf32>, vector<8x1xf32>, vector<8x1xf32>, vector<8x1xf32>, vector<8x1xf32>, vector<8x1xf32>, vector<8x1xf32> -> vector<8x8xf32>
    %swap3A_1118 = arith.constant 0 : index
    %swap3A_1119 = arith.constant 5 : index
    %swap3A_1120 = arith.constant 0 : index
    %swap3A_1121 = vector.load %arg4[%swap3A_1118, %swap3A_1119, %swap3A_1120] : memref<8x8x8xf32, #tpu.memory_space<vmem>>, vector<8x1x8xf32>
    %swap3A_1122 = vector.shape_cast %swap3A_1121 : vector<8x1x8xf32> to vector<8x8xf32>
    %swap3A_1123 = vector.shape_cast %concatenate3A_1117 : vector<8x8xf32> to vector<8x1x8xf32>
    tpu.vector_store %arg4[%swap3A_1118, %swap3A_1119, %swap3A_1120], %swap3A_1123 {strides = array<i32>} : memref<8x8x8xf32, #tpu.memory_space<vmem>>, vector<8x1x8xf32>,
    %concatenate3A_1124 = tpu.concatenate %broadcast_in_dim3A_1004, %broadcast_in_dim3A_1020, %broadcast_in_dim3A_1036, %broadcast_in_dim3A_1052, %broadcast_in_dim3A_1068, %broadcast_in_dim3A_1084, %broadcast_in_dim3A_1100, %broadcast_in_dim3A_1116 in 1 : vector<8x1xi32>, vector<8x1xi32>, vector<8x1xi32>, vector<8x1xi32>, vector<8x1xi32>, vector<8x1xi32>, vector<8x1xi32>, vector<8x1xi32> -> vector<8x8xi32>
    %swap3A_1125 = arith.constant 0 : index
    %swap3A_1126 = arith.constant 5 : index
    %swap3A_1127 = arith.constant 0 : index
    %swap3A_1128 = vector.load %arg5[%swap3A_1125, %swap3A_1126, %swap3A_1127] : memref<8x8x8xi32, #tpu.memory_space<vmem>>, vector<8x1x8xi32>
    %swap3A_1129 = vector.shape_cast %swap3A_1128 : vector<8x1x8xi32> to vector<8x8xi32>
    %swap3A_1130 = vector.shape_cast %concatenate3A_1124 : vector<8x8xi32> to vector<8x1x8xi32>
    tpu.vector_store %arg5[%swap3A_1125, %swap3A_1126, %swap3A_1127], %swap3A_1130 {strides = array<i32>} : memref<8x8x8xi32, #tpu.memory_space<vmem>>, vector<8x1x8xi32>,
    %get3A_1131 = arith.constant 0 : index
    %get3A_1132 = arith.constant 18 : index
    %get3A_1133 = vector.load %arg2[%get3A_1131, %get3A_1132] : memref<8x24xf32, #tpu.memory_space<vmem>>, vector<8x1xf32>
    %get3A_1134 = arith.constant 0 : index
    %get3A_1135 = arith.constant 19 : index
    %get3A_1136 = vector.load %arg2[%get3A_1134, %get3A_1135] : memref<8x24xf32, #tpu.memory_space<vmem>>, vector<8x1xf32>
    %get3A_1137 = arith.constant 0 : index
    %get3A_1138 = arith.constant 20 : index
    %get3A_1139 = vector.load %arg2[%get3A_1137, %get3A_1138] : memref<8x24xf32, #tpu.memory_space<vmem>>, vector<8x1xf32>
    %mul3A_1140 = arith.mulf %get3A_1133, %get3A_1133 : vector<8x1xf32>
    %mul3A_1141 = arith.mulf %get3A_1136, %get3A_1136 : vector<8x1xf32>
    %add3A_1142 = arith.addf %mul3A_1140, %mul3A_1141 : vector<8x1xf32>
    %mul3A_1143 = arith.mulf %get3A_1139, %get3A_1139 : vector<8x1xf32>
    %add3A_1144 = arith.addf %add3A_1142, %mul3A_1143 : vector<8x1xf32>
    %sqrt3A_1145 = math.sqrt %add3A_1144 : vector<8x1xf32>
    %max3A_1146 = arith.constant 9.99999996E-13 : f32
    %max3A_1147 = vector.broadcast %max3A_1146 : f32 to vector<8x1xf32>
    %max3A_1148 = arith.maximumf %sqrt3A_1145, %max3A_1147 : vector<8x1xf32>
    %div3A_1149 = arith.divf %get3A_1133, %max3A_1148 : vector<8x1xf32>
    %div3A_1150 = arith.divf %get3A_1136, %max3A_1148 : vector<8x1xf32>
    %div3A_1151 = arith.divf %get3A_1139, %max3A_1148 : vector<8x1xf32>
    %mul3A_1152 = vector.broadcast %div3A_1149 : vector<8x1xf32> to vector<8x10240xf32>
    %mul3A_1153 = arith.mulf %mul3A_1152, %div3A : vector<8x10240xf32>
    %mul3A_1154 = vector.broadcast %div3A_1150 : vector<8x1xf32> to vector<8x10240xf32>
    %mul3A_1155 = arith.mulf %mul3A_1154, %div3A_30 : vector<8x10240xf32>
    %add3A_1156 = arith.addf %mul3A_1153, %mul3A_1155 : vector<8x10240xf32>
    %mul3A_1157 = vector.broadcast %div3A_1151 : vector<8x1xf32> to vector<8x10240xf32>
    %mul3A_1158 = arith.mulf %mul3A_1157, %div3A_31 : vector<8x10240xf32>
    %add3A_1159 = arith.addf %add3A_1156, %mul3A_1158 : vector<8x10240xf32>
    %mul3A_1160 = arith.mulf %add3A_1159, %add3A_1159 : vector<8x10240xf32>
    %sub3A_1161 = arith.constant 1.000000e+00 : f32
    %sub3A_1162 = vector.broadcast %sub3A_1161 : f32 to vector<8x10240xf32>
    %sub3A_1163 = arith.subf %sub3A_1162, %mul3A_1160 : vector<8x10240xf32>
    %max3A_1164 = arith.constant 9.99999996E-13 : f32
    %max3A_1165 = vector.broadcast %max3A_1164 : f32 to vector<8x10240xf32>
    %max3A_1166 = arith.maximumf %sub3A_1163, %max3A_1165 : vector<8x10240xf32>
    %sqrt3A_1167 = math.sqrt %max3A_1166 : vector<8x10240xf32>
    %mul3A_1168 = arith.mulf %sqrt3A_1167, %sqrt3A : vector<8x10240xf32>
    %lt3A_1169 = arith.constant 0.865999996 : f32
    %lt3A_1170 = vector.broadcast %lt3A_1169 : f32 to vector<8x10240xf32>
    %lt3A_1171 = arith.cmpf olt, %add3A_1159, %lt3A_1170 : vector<8x10240xf32>
    %jit3A_1172 = arith.constant 1.000000e+08 : f32
    %broadcast_in_dim3A_1173 = vector.broadcast %jit3A_1172 : f32 to vector<8x10240xf32>
    %select_n3A_1174 = arith.select %lt3A_1171, %broadcast_in_dim3A_1173, %mul3A_1168 : vector<8x10240xi1>, vector<8x10240xf32>
    %jit3A_1175 = arith.constant 0x7F800000 : f32
    %broadcast_in_dim3A_1176 = vector.broadcast %jit3A_1175 : f32 to vector<8x10240xf32>
    %select_n3A_1177 = arith.select %lt3A_33, %select_n3A_1174, %broadcast_in_dim3A_1176 : vector<8x10240xi1>, vector<8x10240xf32>
    %reduce_min3A_1178 = arith.constant dense<0x7F800000> : vector<8xf32>
    %reduce_min3A_1179 = vector.multi_reduction <minimumf>, %select_n3A_1177, %reduce_min3A_1178 [1] : vector<8x10240xf32> to vector<8xf32>
    %broadcast_in_dim3A_1180 = vector.shape_cast %reduce_min3A_1179 : vector<8xf32> to vector<8x1xf32>
    %eq3A_1181 = vector.broadcast %broadcast_in_dim3A_1180 : vector<8x1xf32> to vector<8x10240xf32>
    %eq3A_1182 = arith.cmpf oeq, %select_n3A_1177, %eq3A_1181 : vector<8x10240xf32>
    %jit3A_1183 = arith.constant 1073741824 : i32
    %broadcast_in_dim3A_1184 = vector.broadcast %jit3A_1183 : i32 to vector<8x10240xi32>
    %select_n3A_1185 = arith.select %eq3A_1182, %iota3A, %broadcast_in_dim3A_1184 : vector<8x10240xi1>, vector<8x10240xi32>
    %reduce_min3A_1186 = arith.constant dense<2147483647> : vector<8xi32>
    %reduce_min3A_1187 = vector.multi_reduction <minsi>, %select_n3A_1185, %reduce_min3A_1186 [1] : vector<8x10240xi32> to vector<8xi32>
    %broadcast_in_dim3A_1188 = vector.shape_cast %reduce_min3A_1187 : vector<8xi32> to vector<8x1xi32>
    %eq3A_1189 = vector.broadcast %broadcast_in_dim3A_1188 : vector<8x1xi32> to vector<8x10240xi32>
    %eq3A_1190 = arith.cmpi eq, %iota3A, %eq3A_1189 : vector<8x10240xi32>
    %jit3A_1191 = arith.constant 0x7F800000 : f32
    %broadcast_in_dim3A_1192 = vector.broadcast %jit3A_1191 : f32 to vector<8x10240xf32>
    %select_n3A_1193 = arith.select %eq3A_1190, %broadcast_in_dim3A_1192, %select_n3A_1177 : vector<8x10240xi1>, vector<8x10240xf32>
    %reduce_min3A_1194 = arith.constant dense<0x7F800000> : vector<8xf32>
    %reduce_min3A_1195 = vector.multi_reduction <minimumf>, %select_n3A_1193, %reduce_min3A_1194 [1] : vector<8x10240xf32> to vector<8xf32>
    %broadcast_in_dim3A_1196 = vector.shape_cast %reduce_min3A_1195 : vector<8xf32> to vector<8x1xf32>
    %eq3A_1197 = vector.broadcast %broadcast_in_dim3A_1196 : vector<8x1xf32> to vector<8x10240xf32>
    %eq3A_1198 = arith.cmpf oeq, %select_n3A_1193, %eq3A_1197 : vector<8x10240xf32>
    %jit3A_1199 = arith.constant 1073741824 : i32
    %broadcast_in_dim3A_1200 = vector.broadcast %jit3A_1199 : i32 to vector<8x10240xi32>
    %select_n3A_1201 = arith.select %eq3A_1198, %iota3A, %broadcast_in_dim3A_1200 : vector<8x10240xi1>, vector<8x10240xi32>
    %reduce_min3A_1202 = arith.constant dense<2147483647> : vector<8xi32>
    %reduce_min3A_1203 = vector.multi_reduction <minsi>, %select_n3A_1201, %reduce_min3A_1202 [1] : vector<8x10240xi32> to vector<8xi32>
    %broadcast_in_dim3A_1204 = vector.shape_cast %reduce_min3A_1203 : vector<8xi32> to vector<8x1xi32>
    %eq3A_1205 = vector.broadcast %broadcast_in_dim3A_1204 : vector<8x1xi32> to vector<8x10240xi32>
    %eq3A_1206 = arith.cmpi eq, %iota3A, %eq3A_1205 : vector<8x10240xi32>
    %jit3A_1207 = arith.constant 0x7F800000 : f32
    %broadcast_in_dim3A_1208 = vector.broadcast %jit3A_1207 : f32 to vector<8x10240xf32>
    %select_n3A_1209 = arith.select %eq3A_1206, %broadcast_in_dim3A_1208, %select_n3A_1193 : vector<8x10240xi1>, vector<8x10240xf32>
    %reduce_min3A_1210 = arith.constant dense<0x7F800000> : vector<8xf32>
    %reduce_min3A_1211 = vector.multi_reduction <minimumf>, %select_n3A_1209, %reduce_min3A_1210 [1] : vector<8x10240xf32> to vector<8xf32>
    %broadcast_in_dim3A_1212 = vector.shape_cast %reduce_min3A_1211 : vector<8xf32> to vector<8x1xf32>
    %eq3A_1213 = vector.broadcast %broadcast_in_dim3A_1212 : vector<8x1xf32> to vector<8x10240xf32>
    %eq3A_1214 = arith.cmpf oeq, %select_n3A_1209, %eq3A_1213 : vector<8x10240xf32>
    %jit3A_1215 = arith.constant 1073741824 : i32
    %broadcast_in_dim3A_1216 = vector.broadcast %jit3A_1215 : i32 to vector<8x10240xi32>
    %select_n3A_1217 = arith.select %eq3A_1214, %iota3A, %broadcast_in_dim3A_1216 : vector<8x10240xi1>, vector<8x10240xi32>
    %reduce_min3A_1218 = arith.constant dense<2147483647> : vector<8xi32>
    %reduce_min3A_1219 = vector.multi_reduction <minsi>, %select_n3A_1217, %reduce_min3A_1218 [1] : vector<8x10240xi32> to vector<8xi32>
    %broadcast_in_dim3A_1220 = vector.shape_cast %reduce_min3A_1219 : vector<8xi32> to vector<8x1xi32>
    %eq3A_1221 = vector.broadcast %broadcast_in_dim3A_1220 : vector<8x1xi32> to vector<8x10240xi32>
    %eq3A_1222 = arith.cmpi eq, %iota3A, %eq3A_1221 : vector<8x10240xi32>
    %jit3A_1223 = arith.constant 0x7F800000 : f32
    %broadcast_in_dim3A_1224 = vector.broadcast %jit3A_1223 : f32 to vector<8x10240xf32>
    %select_n3A_1225 = arith.select %eq3A_1222, %broadcast_in_dim3A_1224, %select_n3A_1209 : vector<8x10240xi1>, vector<8x10240xf32>
    %reduce_min3A_1226 = arith.constant dense<0x7F800000> : vector<8xf32>
    %reduce_min3A_1227 = vector.multi_reduction <minimumf>, %select_n3A_1225, %reduce_min3A_1226 [1] : vector<8x10240xf32> to vector<8xf32>
    %broadcast_in_dim3A_1228 = vector.shape_cast %reduce_min3A_1227 : vector<8xf32> to vector<8x1xf32>
    %eq3A_1229 = vector.broadcast %broadcast_in_dim3A_1228 : vector<8x1xf32> to vector<8x10240xf32>
    %eq3A_1230 = arith.cmpf oeq, %select_n3A_1225, %eq3A_1229 : vector<8x10240xf32>
    %jit3A_1231 = arith.constant 1073741824 : i32
    %broadcast_in_dim3A_1232 = vector.broadcast %jit3A_1231 : i32 to vector<8x10240xi32>
    %select_n3A_1233 = arith.select %eq3A_1230, %iota3A, %broadcast_in_dim3A_1232 : vector<8x10240xi1>, vector<8x10240xi32>
    %reduce_min3A_1234 = arith.constant dense<2147483647> : vector<8xi32>
    %reduce_min3A_1235 = vector.multi_reduction <minsi>, %select_n3A_1233, %reduce_min3A_1234 [1] : vector<8x10240xi32> to vector<8xi32>
    %broadcast_in_dim3A_1236 = vector.shape_cast %reduce_min3A_1235 : vector<8xi32> to vector<8x1xi32>
    %eq3A_1237 = vector.broadcast %broadcast_in_dim3A_1236 : vector<8x1xi32> to vector<8x10240xi32>
    %eq3A_1238 = arith.cmpi eq, %iota3A, %eq3A_1237 : vector<8x10240xi32>
    %jit3A_1239 = arith.constant 0x7F800000 : f32
    %broadcast_in_dim3A_1240 = vector.broadcast %jit3A_1239 : f32 to vector<8x10240xf32>
    %select_n3A_1241 = arith.select %eq3A_1238, %broadcast_in_dim3A_1240, %select_n3A_1225 : vector<8x10240xi1>, vector<8x10240xf32>
    %reduce_min3A_1242 = arith.constant dense<0x7F800000> : vector<8xf32>
    %reduce_min3A_1243 = vector.multi_reduction <minimumf>, %select_n3A_1241, %reduce_min3A_1242 [1] : vector<8x10240xf32> to vector<8xf32>
    %broadcast_in_dim3A_1244 = vector.shape_cast %reduce_min3A_1243 : vector<8xf32> to vector<8x1xf32>
    %eq3A_1245 = vector.broadcast %broadcast_in_dim3A_1244 : vector<8x1xf32> to vector<8x10240xf32>
    %eq3A_1246 = arith.cmpf oeq, %select_n3A_1241, %eq3A_1245 : vector<8x10240xf32>
    %jit3A_1247 = arith.constant 1073741824 : i32
    %broadcast_in_dim3A_1248 = vector.broadcast %jit3A_1247 : i32 to vector<8x10240xi32>
    %select_n3A_1249 = arith.select %eq3A_1246, %iota3A, %broadcast_in_dim3A_1248 : vector<8x10240xi1>, vector<8x10240xi32>
    %reduce_min3A_1250 = arith.constant dense<2147483647> : vector<8xi32>
    %reduce_min3A_1251 = vector.multi_reduction <minsi>, %select_n3A_1249, %reduce_min3A_1250 [1] : vector<8x10240xi32> to vector<8xi32>
    %broadcast_in_dim3A_1252 = vector.shape_cast %reduce_min3A_1251 : vector<8xi32> to vector<8x1xi32>
    %eq3A_1253 = vector.broadcast %broadcast_in_dim3A_1252 : vector<8x1xi32> to vector<8x10240xi32>
    %eq3A_1254 = arith.cmpi eq, %iota3A, %eq3A_1253 : vector<8x10240xi32>
    %jit3A_1255 = arith.constant 0x7F800000 : f32
    %broadcast_in_dim3A_1256 = vector.broadcast %jit3A_1255 : f32 to vector<8x10240xf32>
    %select_n3A_1257 = arith.select %eq3A_1254, %broadcast_in_dim3A_1256, %select_n3A_1241 : vector<8x10240xi1>, vector<8x10240xf32>
    %reduce_min3A_1258 = arith.constant dense<0x7F800000> : vector<8xf32>
    %reduce_min3A_1259 = vector.multi_reduction <minimumf>, %select_n3A_1257, %reduce_min3A_1258 [1] : vector<8x10240xf32> to vector<8xf32>
    %broadcast_in_dim3A_1260 = vector.shape_cast %reduce_min3A_1259 : vector<8xf32> to vector<8x1xf32>
    %eq3A_1261 = vector.broadcast %broadcast_in_dim3A_1260 : vector<8x1xf32> to vector<8x10240xf32>
    %eq3A_1262 = arith.cmpf oeq, %select_n3A_1257, %eq3A_1261 : vector<8x10240xf32>
    %jit3A_1263 = arith.constant 1073741824 : i32
    %broadcast_in_dim3A_1264 = vector.broadcast %jit3A_1263 : i32 to vector<8x10240xi32>
    %select_n3A_1265 = arith.select %eq3A_1262, %iota3A, %broadcast_in_dim3A_1264 : vector<8x10240xi1>, vector<8x10240xi32>
    %reduce_min3A_1266 = arith.constant dense<2147483647> : vector<8xi32>
    %reduce_min3A_1267 = vector.multi_reduction <minsi>, %select_n3A_1265, %reduce_min3A_1266 [1] : vector<8x10240xi32> to vector<8xi32>
    %broadcast_in_dim3A_1268 = vector.shape_cast %reduce_min3A_1267 : vector<8xi32> to vector<8x1xi32>
    %eq3A_1269 = vector.broadcast %broadcast_in_dim3A_1268 : vector<8x1xi32> to vector<8x10240xi32>
    %eq3A_1270 = arith.cmpi eq, %iota3A, %eq3A_1269 : vector<8x10240xi32>
    %jit3A_1271 = arith.constant 0x7F800000 : f32
    %broadcast_in_dim3A_1272 = vector.broadcast %jit3A_1271 : f32 to vector<8x10240xf32>
    %select_n3A_1273 = arith.select %eq3A_1270, %broadcast_in_dim3A_1272, %select_n3A_1257 : vector<8x10240xi1>, vector<8x10240xf32>
    %reduce_min3A_1274 = arith.constant dense<0x7F800000> : vector<8xf32>
    %reduce_min3A_1275 = vector.multi_reduction <minimumf>, %select_n3A_1273, %reduce_min3A_1274 [1] : vector<8x10240xf32> to vector<8xf32>
    %broadcast_in_dim3A_1276 = vector.shape_cast %reduce_min3A_1275 : vector<8xf32> to vector<8x1xf32>
    %eq3A_1277 = vector.broadcast %broadcast_in_dim3A_1276 : vector<8x1xf32> to vector<8x10240xf32>
    %eq3A_1278 = arith.cmpf oeq, %select_n3A_1273, %eq3A_1277 : vector<8x10240xf32>
    %jit3A_1279 = arith.constant 1073741824 : i32
    %broadcast_in_dim3A_1280 = vector.broadcast %jit3A_1279 : i32 to vector<8x10240xi32>
    %select_n3A_1281 = arith.select %eq3A_1278, %iota3A, %broadcast_in_dim3A_1280 : vector<8x10240xi1>, vector<8x10240xi32>
    %reduce_min3A_1282 = arith.constant dense<2147483647> : vector<8xi32>
    %reduce_min3A_1283 = vector.multi_reduction <minsi>, %select_n3A_1281, %reduce_min3A_1282 [1] : vector<8x10240xi32> to vector<8xi32>
    %broadcast_in_dim3A_1284 = vector.shape_cast %reduce_min3A_1283 : vector<8xi32> to vector<8x1xi32>
    %eq3A_1285 = vector.broadcast %broadcast_in_dim3A_1284 : vector<8x1xi32> to vector<8x10240xi32>
    %eq3A_1286 = arith.cmpi eq, %iota3A, %eq3A_1285 : vector<8x10240xi32>
    %jit3A_1287 = arith.constant 0x7F800000 : f32
    %broadcast_in_dim3A_1288 = vector.broadcast %jit3A_1287 : f32 to vector<8x10240xf32>
    %select_n3A_1289 = arith.select %eq3A_1286, %broadcast_in_dim3A_1288, %select_n3A_1273 : vector<8x10240xi1>, vector<8x10240xf32>
    %reduce_min3A_1290 = arith.constant dense<0x7F800000> : vector<8xf32>
    %reduce_min3A_1291 = vector.multi_reduction <minimumf>, %select_n3A_1289, %reduce_min3A_1290 [1] : vector<8x10240xf32> to vector<8xf32>
    %broadcast_in_dim3A_1292 = vector.shape_cast %reduce_min3A_1291 : vector<8xf32> to vector<8x1xf32>
    %eq3A_1293 = vector.broadcast %broadcast_in_dim3A_1292 : vector<8x1xf32> to vector<8x10240xf32>
    %eq3A_1294 = arith.cmpf oeq, %select_n3A_1289, %eq3A_1293 : vector<8x10240xf32>
    %jit3A_1295 = arith.constant 1073741824 : i32
    %broadcast_in_dim3A_1296 = vector.broadcast %jit3A_1295 : i32 to vector<8x10240xi32>
    %select_n3A_1297 = arith.select %eq3A_1294, %iota3A, %broadcast_in_dim3A_1296 : vector<8x10240xi1>, vector<8x10240xi32>
    %reduce_min3A_1298 = arith.constant dense<2147483647> : vector<8xi32>
    %reduce_min3A_1299 = vector.multi_reduction <minsi>, %select_n3A_1297, %reduce_min3A_1298 [1] : vector<8x10240xi32> to vector<8xi32>
    %broadcast_in_dim3A_1300 = vector.shape_cast %reduce_min3A_1299 : vector<8xi32> to vector<8x1xi32>
    %concatenate3A_1301 = tpu.concatenate %broadcast_in_dim3A_1180, %broadcast_in_dim3A_1196, %broadcast_in_dim3A_1212, %broadcast_in_dim3A_1228, %broadcast_in_dim3A_1244, %broadcast_in_dim3A_1260, %broadcast_in_dim3A_1276, %broadcast_in_dim3A_1292 in 1 : vector<8x1xf32>, vector<8x1xf32>, vector<8x1xf32>, vector<8x1xf32>, vector<8x1xf32>, vector<8x1xf32>, vector<8x1xf32>, vector<8x1xf32> -> vector<8x8xf32>
    %swap3A_1302 = arith.constant 0 : index
    %swap3A_1303 = arith.constant 6 : index
    %swap3A_1304 = arith.constant 0 : index
    %swap3A_1305 = vector.load %arg4[%swap3A_1302, %swap3A_1303, %swap3A_1304] : memref<8x8x8xf32, #tpu.memory_space<vmem>>, vector<8x1x8xf32>
    %swap3A_1306 = vector.shape_cast %swap3A_1305 : vector<8x1x8xf32> to vector<8x8xf32>
    %swap3A_1307 = vector.shape_cast %concatenate3A_1301 : vector<8x8xf32> to vector<8x1x8xf32>
    tpu.vector_store %arg4[%swap3A_1302, %swap3A_1303, %swap3A_1304], %swap3A_1307 {strides = array<i32>} : memref<8x8x8xf32, #tpu.memory_space<vmem>>, vector<8x1x8xf32>,
    %concatenate3A_1308 = tpu.concatenate %broadcast_in_dim3A_1188, %broadcast_in_dim3A_1204, %broadcast_in_dim3A_1220, %broadcast_in_dim3A_1236, %broadcast_in_dim3A_1252, %broadcast_in_dim3A_1268, %broadcast_in_dim3A_1284, %broadcast_in_dim3A_1300 in 1 : vector<8x1xi32>, vector<8x1xi32>, vector<8x1xi32>, vector<8x1xi32>, vector<8x1xi32>, vector<8x1xi32>, vector<8x1xi32>, vector<8x1xi32> -> vector<8x8xi32>
    %swap3A_1309 = arith.constant 0 : index
    %swap3A_1310 = arith.constant 6 : index
    %swap3A_1311 = arith.constant 0 : index
    %swap3A_1312 = vector.load %arg5[%swap3A_1309, %swap3A_1310, %swap3A_1311] : memref<8x8x8xi32, #tpu.memory_space<vmem>>, vector<8x1x8xi32>
    %swap3A_1313 = vector.shape_cast %swap3A_1312 : vector<8x1x8xi32> to vector<8x8xi32>
    %swap3A_1314 = vector.shape_cast %concatenate3A_1308 : vector<8x8xi32> to vector<8x1x8xi32>
    tpu.vector_store %arg5[%swap3A_1309, %swap3A_1310, %swap3A_1311], %swap3A_1314 {strides = array<i32>} : memref<8x8x8xi32, #tpu.memory_space<vmem>>, vector<8x1x8xi32>,
    %get3A_1315 = arith.constant 0 : index
    %get3A_1316 = arith.constant 21 : index
    %get3A_1317 = vector.load %arg2[%get3A_1315, %get3A_1316] : memref<8x24xf32, #tpu.memory_space<vmem>>, vector<8x1xf32>
    %get3A_1318 = arith.constant 0 : index
    %get3A_1319 = arith.constant 22 : index
    %get3A_1320 = vector.load %arg2[%get3A_1318, %get3A_1319] : memref<8x24xf32, #tpu.memory_space<vmem>>, vector<8x1xf32>
    %get3A_1321 = arith.constant 0 : index
    %get3A_1322 = arith.constant 23 : index
    %get3A_1323 = vector.load %arg2[%get3A_1321, %get3A_1322] : memref<8x24xf32, #tpu.memory_space<vmem>>, vector<8x1xf32>
    %mul3A_1324 = arith.mulf %get3A_1317, %get3A_1317 : vector<8x1xf32>
    %mul3A_1325 = arith.mulf %get3A_1320, %get3A_1320 : vector<8x1xf32>
    %add3A_1326 = arith.addf %mul3A_1324, %mul3A_1325 : vector<8x1xf32>
    %mul3A_1327 = arith.mulf %get3A_1323, %get3A_1323 : vector<8x1xf32>
    %add3A_1328 = arith.addf %add3A_1326, %mul3A_1327 : vector<8x1xf32>
    %sqrt3A_1329 = math.sqrt %add3A_1328 : vector<8x1xf32>
    %max3A_1330 = arith.constant 9.99999996E-13 : f32
    %max3A_1331 = vector.broadcast %max3A_1330 : f32 to vector<8x1xf32>
    %max3A_1332 = arith.maximumf %sqrt3A_1329, %max3A_1331 : vector<8x1xf32>
    %div3A_1333 = arith.divf %get3A_1317, %max3A_1332 : vector<8x1xf32>
    %div3A_1334 = arith.divf %get3A_1320, %max3A_1332 : vector<8x1xf32>
    %div3A_1335 = arith.divf %get3A_1323, %max3A_1332 : vector<8x1xf32>
    %mul3A_1336 = vector.broadcast %div3A_1333 : vector<8x1xf32> to vector<8x10240xf32>
    %mul3A_1337 = arith.mulf %mul3A_1336, %div3A : vector<8x10240xf32>
    %mul3A_1338 = vector.broadcast %div3A_1334 : vector<8x1xf32> to vector<8x10240xf32>
    %mul3A_1339 = arith.mulf %mul3A_1338, %div3A_30 : vector<8x10240xf32>
    %add3A_1340 = arith.addf %mul3A_1337, %mul3A_1339 : vector<8x10240xf32>
    %mul3A_1341 = vector.broadcast %div3A_1335 : vector<8x1xf32> to vector<8x10240xf32>
    %mul3A_1342 = arith.mulf %mul3A_1341, %div3A_31 : vector<8x10240xf32>
    %add3A_1343 = arith.addf %add3A_1340, %mul3A_1342 : vector<8x10240xf32>
    %mul3A_1344 = arith.mulf %add3A_1343, %add3A_1343 : vector<8x10240xf32>
    %sub3A_1345 = arith.constant 1.000000e+00 : f32
    %sub3A_1346 = vector.broadcast %sub3A_1345 : f32 to vector<8x10240xf32>
    %sub3A_1347 = arith.subf %sub3A_1346, %mul3A_1344 : vector<8x10240xf32>
    %max3A_1348 = arith.constant 9.99999996E-13 : f32
    %max3A_1349 = vector.broadcast %max3A_1348 : f32 to vector<8x10240xf32>
    %max3A_1350 = arith.maximumf %sub3A_1347, %max3A_1349 : vector<8x10240xf32>
    %sqrt3A_1351 = math.sqrt %max3A_1350 : vector<8x10240xf32>
    %mul3A_1352 = arith.mulf %sqrt3A_1351, %sqrt3A : vector<8x10240xf32>
    %lt3A_1353 = arith.constant 0.865999996 : f32
    %lt3A_1354 = vector.broadcast %lt3A_1353 : f32 to vector<8x10240xf32>
    %lt3A_1355 = arith.cmpf olt, %add3A_1343, %lt3A_1354 : vector<8x10240xf32>
    %jit3A_1356 = arith.constant 1.000000e+08 : f32
    %broadcast_in_dim3A_1357 = vector.broadcast %jit3A_1356 : f32 to vector<8x10240xf32>
    %select_n3A_1358 = arith.select %lt3A_1355, %broadcast_in_dim3A_1357, %mul3A_1352 : vector<8x10240xi1>, vector<8x10240xf32>
    %jit3A_1359 = arith.constant 0x7F800000 : f32
    %broadcast_in_dim3A_1360 = vector.broadcast %jit3A_1359 : f32 to vector<8x10240xf32>
    %select_n3A_1361 = arith.select %lt3A_33, %select_n3A_1358, %broadcast_in_dim3A_1360 : vector<8x10240xi1>, vector<8x10240xf32>
    %reduce_min3A_1362 = arith.constant dense<0x7F800000> : vector<8xf32>
    %reduce_min3A_1363 = vector.multi_reduction <minimumf>, %select_n3A_1361, %reduce_min3A_1362 [1] : vector<8x10240xf32> to vector<8xf32>
    %broadcast_in_dim3A_1364 = vector.shape_cast %reduce_min3A_1363 : vector<8xf32> to vector<8x1xf32>
    %eq3A_1365 = vector.broadcast %broadcast_in_dim3A_1364 : vector<8x1xf32> to vector<8x10240xf32>
    %eq3A_1366 = arith.cmpf oeq, %select_n3A_1361, %eq3A_1365 : vector<8x10240xf32>
    %jit3A_1367 = arith.constant 1073741824 : i32
    %broadcast_in_dim3A_1368 = vector.broadcast %jit3A_1367 : i32 to vector<8x10240xi32>
    %select_n3A_1369 = arith.select %eq3A_1366, %iota3A, %broadcast_in_dim3A_1368 : vector<8x10240xi1>, vector<8x10240xi32>
    %reduce_min3A_1370 = arith.constant dense<2147483647> : vector<8xi32>
    %reduce_min3A_1371 = vector.multi_reduction <minsi>, %select_n3A_1369, %reduce_min3A_1370 [1] : vector<8x10240xi32> to vector<8xi32>
    %broadcast_in_dim3A_1372 = vector.shape_cast %reduce_min3A_1371 : vector<8xi32> to vector<8x1xi32>
    %eq3A_1373 = vector.broadcast %broadcast_in_dim3A_1372 : vector<8x1xi32> to vector<8x10240xi32>
    %eq3A_1374 = arith.cmpi eq, %iota3A, %eq3A_1373 : vector<8x10240xi32>
    %jit3A_1375 = arith.constant 0x7F800000 : f32
    %broadcast_in_dim3A_1376 = vector.broadcast %jit3A_1375 : f32 to vector<8x10240xf32>
    %select_n3A_1377 = arith.select %eq3A_1374, %broadcast_in_dim3A_1376, %select_n3A_1361 : vector<8x10240xi1>, vector<8x10240xf32>
    %reduce_min3A_1378 = arith.constant dense<0x7F800000> : vector<8xf32>
    %reduce_min3A_1379 = vector.multi_reduction <minimumf>, %select_n3A_1377, %reduce_min3A_1378 [1] : vector<8x10240xf32> to vector<8xf32>
    %broadcast_in_dim3A_1380 = vector.shape_cast %reduce_min3A_1379 : vector<8xf32> to vector<8x1xf32>
    %eq3A_1381 = vector.broadcast %broadcast_in_dim3A_1380 : vector<8x1xf32> to vector<8x10240xf32>
    %eq3A_1382 = arith.cmpf oeq, %select_n3A_1377, %eq3A_1381 : vector<8x10240xf32>
    %jit3A_1383 = arith.constant 1073741824 : i32
    %broadcast_in_dim3A_1384 = vector.broadcast %jit3A_1383 : i32 to vector<8x10240xi32>
    %select_n3A_1385 = arith.select %eq3A_1382, %iota3A, %broadcast_in_dim3A_1384 : vector<8x10240xi1>, vector<8x10240xi32>
    %reduce_min3A_1386 = arith.constant dense<2147483647> : vector<8xi32>
    %reduce_min3A_1387 = vector.multi_reduction <minsi>, %select_n3A_1385, %reduce_min3A_1386 [1] : vector<8x10240xi32> to vector<8xi32>
    %broadcast_in_dim3A_1388 = vector.shape_cast %reduce_min3A_1387 : vector<8xi32> to vector<8x1xi32>
    %eq3A_1389 = vector.broadcast %broadcast_in_dim3A_1388 : vector<8x1xi32> to vector<8x10240xi32>
    %eq3A_1390 = arith.cmpi eq, %iota3A, %eq3A_1389 : vector<8x10240xi32>
    %jit3A_1391 = arith.constant 0x7F800000 : f32
    %broadcast_in_dim3A_1392 = vector.broadcast %jit3A_1391 : f32 to vector<8x10240xf32>
    %select_n3A_1393 = arith.select %eq3A_1390, %broadcast_in_dim3A_1392, %select_n3A_1377 : vector<8x10240xi1>, vector<8x10240xf32>
    %reduce_min3A_1394 = arith.constant dense<0x7F800000> : vector<8xf32>
    %reduce_min3A_1395 = vector.multi_reduction <minimumf>, %select_n3A_1393, %reduce_min3A_1394 [1] : vector<8x10240xf32> to vector<8xf32>
    %broadcast_in_dim3A_1396 = vector.shape_cast %reduce_min3A_1395 : vector<8xf32> to vector<8x1xf32>
    %eq3A_1397 = vector.broadcast %broadcast_in_dim3A_1396 : vector<8x1xf32> to vector<8x10240xf32>
    %eq3A_1398 = arith.cmpf oeq, %select_n3A_1393, %eq3A_1397 : vector<8x10240xf32>
    %jit3A_1399 = arith.constant 1073741824 : i32
    %broadcast_in_dim3A_1400 = vector.broadcast %jit3A_1399 : i32 to vector<8x10240xi32>
    %select_n3A_1401 = arith.select %eq3A_1398, %iota3A, %broadcast_in_dim3A_1400 : vector<8x10240xi1>, vector<8x10240xi32>
    %reduce_min3A_1402 = arith.constant dense<2147483647> : vector<8xi32>
    %reduce_min3A_1403 = vector.multi_reduction <minsi>, %select_n3A_1401, %reduce_min3A_1402 [1] : vector<8x10240xi32> to vector<8xi32>
    %broadcast_in_dim3A_1404 = vector.shape_cast %reduce_min3A_1403 : vector<8xi32> to vector<8x1xi32>
    %eq3A_1405 = vector.broadcast %broadcast_in_dim3A_1404 : vector<8x1xi32> to vector<8x10240xi32>
    %eq3A_1406 = arith.cmpi eq, %iota3A, %eq3A_1405 : vector<8x10240xi32>
    %jit3A_1407 = arith.constant 0x7F800000 : f32
    %broadcast_in_dim3A_1408 = vector.broadcast %jit3A_1407 : f32 to vector<8x10240xf32>
    %select_n3A_1409 = arith.select %eq3A_1406, %broadcast_in_dim3A_1408, %select_n3A_1393 : vector<8x10240xi1>, vector<8x10240xf32>
    %reduce_min3A_1410 = arith.constant dense<0x7F800000> : vector<8xf32>
    %reduce_min3A_1411 = vector.multi_reduction <minimumf>, %select_n3A_1409, %reduce_min3A_1410 [1] : vector<8x10240xf32> to vector<8xf32>
    %broadcast_in_dim3A_1412 = vector.shape_cast %reduce_min3A_1411 : vector<8xf32> to vector<8x1xf32>
    %eq3A_1413 = vector.broadcast %broadcast_in_dim3A_1412 : vector<8x1xf32> to vector<8x10240xf32>
    %eq3A_1414 = arith.cmpf oeq, %select_n3A_1409, %eq3A_1413 : vector<8x10240xf32>
    %jit3A_1415 = arith.constant 1073741824 : i32
    %broadcast_in_dim3A_1416 = vector.broadcast %jit3A_1415 : i32 to vector<8x10240xi32>
    %select_n3A_1417 = arith.select %eq3A_1414, %iota3A, %broadcast_in_dim3A_1416 : vector<8x10240xi1>, vector<8x10240xi32>
    %reduce_min3A_1418 = arith.constant dense<2147483647> : vector<8xi32>
    %reduce_min3A_1419 = vector.multi_reduction <minsi>, %select_n3A_1417, %reduce_min3A_1418 [1] : vector<8x10240xi32> to vector<8xi32>
    %broadcast_in_dim3A_1420 = vector.shape_cast %reduce_min3A_1419 : vector<8xi32> to vector<8x1xi32>
    %eq3A_1421 = vector.broadcast %broadcast_in_dim3A_1420 : vector<8x1xi32> to vector<8x10240xi32>
    %eq3A_1422 = arith.cmpi eq, %iota3A, %eq3A_1421 : vector<8x10240xi32>
    %jit3A_1423 = arith.constant 0x7F800000 : f32
    %broadcast_in_dim3A_1424 = vector.broadcast %jit3A_1423 : f32 to vector<8x10240xf32>
    %select_n3A_1425 = arith.select %eq3A_1422, %broadcast_in_dim3A_1424, %select_n3A_1409 : vector<8x10240xi1>, vector<8x10240xf32>
    %reduce_min3A_1426 = arith.constant dense<0x7F800000> : vector<8xf32>
    %reduce_min3A_1427 = vector.multi_reduction <minimumf>, %select_n3A_1425, %reduce_min3A_1426 [1] : vector<8x10240xf32> to vector<8xf32>
    %broadcast_in_dim3A_1428 = vector.shape_cast %reduce_min3A_1427 : vector<8xf32> to vector<8x1xf32>
    %eq3A_1429 = vector.broadcast %broadcast_in_dim3A_1428 : vector<8x1xf32> to vector<8x10240xf32>
    %eq3A_1430 = arith.cmpf oeq, %select_n3A_1425, %eq3A_1429 : vector<8x10240xf32>
    %jit3A_1431 = arith.constant 1073741824 : i32
    %broadcast_in_dim3A_1432 = vector.broadcast %jit3A_1431 : i32 to vector<8x10240xi32>
    %select_n3A_1433 = arith.select %eq3A_1430, %iota3A, %broadcast_in_dim3A_1432 : vector<8x10240xi1>, vector<8x10240xi32>
    %reduce_min3A_1434 = arith.constant dense<2147483647> : vector<8xi32>
    %reduce_min3A_1435 = vector.multi_reduction <minsi>, %select_n3A_1433, %reduce_min3A_1434 [1] : vector<8x10240xi32> to vector<8xi32>
    %broadcast_in_dim3A_1436 = vector.shape_cast %reduce_min3A_1435 : vector<8xi32> to vector<8x1xi32>
    %eq3A_1437 = vector.broadcast %broadcast_in_dim3A_1436 : vector<8x1xi32> to vector<8x10240xi32>
    %eq3A_1438 = arith.cmpi eq, %iota3A, %eq3A_1437 : vector<8x10240xi32>
    %jit3A_1439 = arith.constant 0x7F800000 : f32
    %broadcast_in_dim3A_1440 = vector.broadcast %jit3A_1439 : f32 to vector<8x10240xf32>
    %select_n3A_1441 = arith.select %eq3A_1438, %broadcast_in_dim3A_1440, %select_n3A_1425 : vector<8x10240xi1>, vector<8x10240xf32>
    %reduce_min3A_1442 = arith.constant dense<0x7F800000> : vector<8xf32>
    %reduce_min3A_1443 = vector.multi_reduction <minimumf>, %select_n3A_1441, %reduce_min3A_1442 [1] : vector<8x10240xf32> to vector<8xf32>
    %broadcast_in_dim3A_1444 = vector.shape_cast %reduce_min3A_1443 : vector<8xf32> to vector<8x1xf32>
    %eq3A_1445 = vector.broadcast %broadcast_in_dim3A_1444 : vector<8x1xf32> to vector<8x10240xf32>
    %eq3A_1446 = arith.cmpf oeq, %select_n3A_1441, %eq3A_1445 : vector<8x10240xf32>
    %jit3A_1447 = arith.constant 1073741824 : i32
    %broadcast_in_dim3A_1448 = vector.broadcast %jit3A_1447 : i32 to vector<8x10240xi32>
    %select_n3A_1449 = arith.select %eq3A_1446, %iota3A, %broadcast_in_dim3A_1448 : vector<8x10240xi1>, vector<8x10240xi32>
    %reduce_min3A_1450 = arith.constant dense<2147483647> : vector<8xi32>
    %reduce_min3A_1451 = vector.multi_reduction <minsi>, %select_n3A_1449, %reduce_min3A_1450 [1] : vector<8x10240xi32> to vector<8xi32>
    %broadcast_in_dim3A_1452 = vector.shape_cast %reduce_min3A_1451 : vector<8xi32> to vector<8x1xi32>
    %eq3A_1453 = vector.broadcast %broadcast_in_dim3A_1452 : vector<8x1xi32> to vector<8x10240xi32>
    %eq3A_1454 = arith.cmpi eq, %iota3A, %eq3A_1453 : vector<8x10240xi32>
    %jit3A_1455 = arith.constant 0x7F800000 : f32
    %broadcast_in_dim3A_1456 = vector.broadcast %jit3A_1455 : f32 to vector<8x10240xf32>
    %select_n3A_1457 = arith.select %eq3A_1454, %broadcast_in_dim3A_1456, %select_n3A_1441 : vector<8x10240xi1>, vector<8x10240xf32>
    %reduce_min3A_1458 = arith.constant dense<0x7F800000> : vector<8xf32>
    %reduce_min3A_1459 = vector.multi_reduction <minimumf>, %select_n3A_1457, %reduce_min3A_1458 [1] : vector<8x10240xf32> to vector<8xf32>
    %broadcast_in_dim3A_1460 = vector.shape_cast %reduce_min3A_1459 : vector<8xf32> to vector<8x1xf32>
    %eq3A_1461 = vector.broadcast %broadcast_in_dim3A_1460 : vector<8x1xf32> to vector<8x10240xf32>
    %eq3A_1462 = arith.cmpf oeq, %select_n3A_1457, %eq3A_1461 : vector<8x10240xf32>
    %jit3A_1463 = arith.constant 1073741824 : i32
    %broadcast_in_dim3A_1464 = vector.broadcast %jit3A_1463 : i32 to vector<8x10240xi32>
    %select_n3A_1465 = arith.select %eq3A_1462, %iota3A, %broadcast_in_dim3A_1464 : vector<8x10240xi1>, vector<8x10240xi32>
    %reduce_min3A_1466 = arith.constant dense<2147483647> : vector<8xi32>
    %reduce_min3A_1467 = vector.multi_reduction <minsi>, %select_n3A_1465, %reduce_min3A_1466 [1] : vector<8x10240xi32> to vector<8xi32>
    %broadcast_in_dim3A_1468 = vector.shape_cast %reduce_min3A_1467 : vector<8xi32> to vector<8x1xi32>
    %eq3A_1469 = vector.broadcast %broadcast_in_dim3A_1468 : vector<8x1xi32> to vector<8x10240xi32>
    %eq3A_1470 = arith.cmpi eq, %iota3A, %eq3A_1469 : vector<8x10240xi32>
    %jit3A_1471 = arith.constant 0x7F800000 : f32
    %broadcast_in_dim3A_1472 = vector.broadcast %jit3A_1471 : f32 to vector<8x10240xf32>
    %select_n3A_1473 = arith.select %eq3A_1470, %broadcast_in_dim3A_1472, %select_n3A_1457 : vector<8x10240xi1>, vector<8x10240xf32>
    %reduce_min3A_1474 = arith.constant dense<0x7F800000> : vector<8xf32>
    %reduce_min3A_1475 = vector.multi_reduction <minimumf>, %select_n3A_1473, %reduce_min3A_1474 [1] : vector<8x10240xf32> to vector<8xf32>
    %broadcast_in_dim3A_1476 = vector.shape_cast %reduce_min3A_1475 : vector<8xf32> to vector<8x1xf32>
    %eq3A_1477 = vector.broadcast %broadcast_in_dim3A_1476 : vector<8x1xf32> to vector<8x10240xf32>
    %eq3A_1478 = arith.cmpf oeq, %select_n3A_1473, %eq3A_1477 : vector<8x10240xf32>
    %jit3A_1479 = arith.constant 1073741824 : i32
    %broadcast_in_dim3A_1480 = vector.broadcast %jit3A_1479 : i32 to vector<8x10240xi32>
    %select_n3A_1481 = arith.select %eq3A_1478, %iota3A, %broadcast_in_dim3A_1480 : vector<8x10240xi1>, vector<8x10240xi32>
    %reduce_min3A_1482 = arith.constant dense<2147483647> : vector<8xi32>
    %reduce_min3A_1483 = vector.multi_reduction <minsi>, %select_n3A_1481, %reduce_min3A_1482 [1] : vector<8x10240xi32> to vector<8xi32>
    %broadcast_in_dim3A_1484 = vector.shape_cast %reduce_min3A_1483 : vector<8xi32> to vector<8x1xi32>
    %concatenate3A_1485 = tpu.concatenate %broadcast_in_dim3A_1364, %broadcast_in_dim3A_1380, %broadcast_in_dim3A_1396, %broadcast_in_dim3A_1412, %broadcast_in_dim3A_1428, %broadcast_in_dim3A_1444, %broadcast_in_dim3A_1460, %broadcast_in_dim3A_1476 in 1 : vector<8x1xf32>, vector<8x1xf32>, vector<8x1xf32>, vector<8x1xf32>, vector<8x1xf32>, vector<8x1xf32>, vector<8x1xf32>, vector<8x1xf32> -> vector<8x8xf32>
    %swap3A_1486 = arith.constant 0 : index
    %swap3A_1487 = arith.constant 7 : index
    %swap3A_1488 = arith.constant 0 : index
    %swap3A_1489 = vector.load %arg4[%swap3A_1486, %swap3A_1487, %swap3A_1488] : memref<8x8x8xf32, #tpu.memory_space<vmem>>, vector<8x1x8xf32>
    %swap3A_1490 = vector.shape_cast %swap3A_1489 : vector<8x1x8xf32> to vector<8x8xf32>
    %swap3A_1491 = vector.shape_cast %concatenate3A_1485 : vector<8x8xf32> to vector<8x1x8xf32>
    tpu.vector_store %arg4[%swap3A_1486, %swap3A_1487, %swap3A_1488], %swap3A_1491 {strides = array<i32>} : memref<8x8x8xf32, #tpu.memory_space<vmem>>, vector<8x1x8xf32>,
    %concatenate3A_1492 = tpu.concatenate %broadcast_in_dim3A_1372, %broadcast_in_dim3A_1388, %broadcast_in_dim3A_1404, %broadcast_in_dim3A_1420, %broadcast_in_dim3A_1436, %broadcast_in_dim3A_1452, %broadcast_in_dim3A_1468, %broadcast_in_dim3A_1484 in 1 : vector<8x1xi32>, vector<8x1xi32>, vector<8x1xi32>, vector<8x1xi32>, vector<8x1xi32>, vector<8x1xi32>, vector<8x1xi32>, vector<8x1xi32> -> vector<8x8xi32>
    %swap3A_1493 = arith.constant 0 : index
    %swap3A_1494 = arith.constant 7 : index
    %swap3A_1495 = arith.constant 0 : index
    %swap3A_1496 = vector.load %arg5[%swap3A_1493, %swap3A_1494, %swap3A_1495] : memref<8x8x8xi32, #tpu.memory_space<vmem>>, vector<8x1x8xi32>
    %swap3A_1497 = vector.shape_cast %swap3A_1496 : vector<8x1x8xi32> to vector<8x8xi32>
    %swap3A_1498 = vector.shape_cast %concatenate3A_1492 : vector<8x8xi32> to vector<8x1x8xi32>
    tpu.vector_store %arg5[%swap3A_1493, %swap3A_1494, %swap3A_1495], %swap3A_1498 {strides = array<i32>} : memref<8x8x8xi32, #tpu.memory_space<vmem>>, vector<8x1x8xi32>,
    return
  }
  func.func @transform_0(%arg0: i32) -> (i32, i32) {
    %c0_i32 = arith.constant 0 : i32
    %c0_i32_0 = arith.constant 0 : i32
    return %arg0, %c0_i32 : i32, i32
  }
  func.func @transform_1(%arg0: i32) -> (i32, i32) {
    %c0_i32 = arith.constant 0 : i32
    %c0_i32_0 = arith.constant 0 : i32
    return %arg0, %c0_i32 : i32, i32
  }
  func.func @transform_2(%arg0: i32) -> (i32, i32) {
    %c0_i32 = arith.constant 0 : i32
    %c0_i32_0 = arith.constant 0 : i32
    %c0_i32_1 = arith.constant 0 : i32
    return %c0_i32, %c0_i32_0 : i32, i32
  }
  func.func @transform_3(%arg0: i32) -> (i32, i32, i32) {
    %c0_i32 = arith.constant 0 : i32
    %c0_i32_0 = arith.constant 0 : i32
    %c0_i32_1 = arith.constant 0 : i32
    return %arg0, %c0_i32, %c0_i32_0 : i32, i32, i32
  }
  func.func @transform_4(%arg0: i32) -> (i32, i32, i32) {
    %c0_i32 = arith.constant 0 : i32
    %c0_i32_0 = arith.constant 0 : i32
    %c0_i32_1 = arith.constant 0 : i32
    return %arg0, %c0_i32, %c0_i32_0 : i32, i32, i32
  }
}

module attributes {stable_mosaic.version = 14 : i64} {
  func.func @_feat_body(%arg0: i32, %arg1: memref<512x64xf32, #tpu.memory_space<vmem>>, %arg2: memref<512x64xf32, #tpu.memory_space<vmem>>, %arg3: memref<512x64xf32, #tpu.memory_space<vmem>>, %arg4: memref<512x3xf32, #tpu.memory_space<vmem>>, %arg5: memref<512x64xf32, #tpu.memory_space<vmem>>, %arg6: memref<512x64xf32, #tpu.memory_space<vmem>>, %arg7: memref<512x64xf32, #tpu.memory_space<vmem>>, %arg8: memref<512x64xf32, #tpu.memory_space<vmem>>, %arg9: memref<512x64xi32, #tpu.memory_space<vmem>>) attributes {dimension_semantics = [#tpu.dimension_semantics<arbitrary>], iteration_bounds = array<i64: 1>, scalar_prefetch = 0 : i64, scratch_operands = 0 : i64, tpu.core_type = #tpu.core_type<tc>, window_params = [{pipeline_mode = #tpu.pipeline_mode<synchronous>, transform_indices = @transform_0, window_bounds = array<i64: 512, 64>}, {pipeline_mode = #tpu.pipeline_mode<synchronous>, transform_indices = @transform_1, window_bounds = array<i64: 512, 64>}, {pipeline_mode = #tpu.pipeline_mode<synchronous>, transform_indices = @transform_2, window_bounds = array<i64: 512, 64>}, {pipeline_mode = #tpu.pipeline_mode<synchronous>, transform_indices = @transform_3, window_bounds = array<i64: 512, 3>}, {pipeline_mode = #tpu.pipeline_mode<synchronous>, transform_indices = @transform_4, window_bounds = array<i64: 512, 64>}, {pipeline_mode = #tpu.pipeline_mode<synchronous>, transform_indices = @transform_5, window_bounds = array<i64: 512, 64>}, {pipeline_mode = #tpu.pipeline_mode<synchronous>, transform_indices = @transform_6, window_bounds = array<i64: 512, 64>}, {pipeline_mode = #tpu.pipeline_mode<synchronous>, transform_indices = @transform_7, window_bounds = array<i64: 512, 64>}, {pipeline_mode = #tpu.pipeline_mode<synchronous>, transform_indices = @transform_8, window_bounds = array<i64: 512, 64>}]} {
    %get3A = arith.constant 0 : index
    %get3A_0 = arith.constant 0 : index
    %get3A_1 = vector.load %arg1[%get3A, %get3A_0] : memref<512x64xf32, #tpu.memory_space<vmem>>, vector<512x64xf32>
    %get3A_2 = arith.constant 0 : index
    %get3A_3 = arith.constant 0 : index
    %get3A_4 = vector.load %arg4[%get3A_2, %get3A_3] : memref<512x3xf32, #tpu.memory_space<vmem>>, vector<512x1xf32>
    %sub3A = vector.broadcast %get3A_4 : vector<512x1xf32> to vector<512x64xf32>
    %sub3A_5 = arith.subf %get3A_1, %sub3A : vector<512x64xf32>
    %get3A_6 = arith.constant 0 : index
    %get3A_7 = arith.constant 0 : index
    %get3A_8 = vector.load %arg2[%get3A_6, %get3A_7] : memref<512x64xf32, #tpu.memory_space<vmem>>, vector<512x64xf32>
    %get3A_9 = arith.constant 0 : index
    %get3A_10 = arith.constant 1 : index
    %get3A_11 = vector.load %arg4[%get3A_9, %get3A_10] : memref<512x3xf32, #tpu.memory_space<vmem>>, vector<512x1xf32>
    %sub3A_12 = vector.broadcast %get3A_11 : vector<512x1xf32> to vector<512x64xf32>
    %sub3A_13 = arith.subf %get3A_8, %sub3A_12 : vector<512x64xf32>
    %get3A_14 = arith.constant 0 : index
    %get3A_15 = arith.constant 0 : index
    %get3A_16 = vector.load %arg3[%get3A_14, %get3A_15] : memref<512x64xf32, #tpu.memory_space<vmem>>, vector<512x64xf32>
    %get3A_17 = arith.constant 0 : index
    %get3A_18 = arith.constant 2 : index
    %get3A_19 = vector.load %arg4[%get3A_17, %get3A_18] : memref<512x3xf32, #tpu.memory_space<vmem>>, vector<512x1xf32>
    %sub3A_20 = vector.broadcast %get3A_19 : vector<512x1xf32> to vector<512x64xf32>
    %sub3A_21 = arith.subf %get3A_16, %sub3A_20 : vector<512x64xf32>
    %mul3A = arith.mulf %sub3A_5, %sub3A_5 : vector<512x64xf32>
    %mul3A_22 = arith.mulf %sub3A_13, %sub3A_13 : vector<512x64xf32>
    %add3A = arith.addf %mul3A, %mul3A_22 : vector<512x64xf32>
    %mul3A_23 = arith.mulf %sub3A_21, %sub3A_21 : vector<512x64xf32>
    %add3A_24 = arith.addf %add3A, %mul3A_23 : vector<512x64xf32>
    %sqrt3A = math.sqrt %add3A_24 : vector<512x64xf32>
    %add3A_25 = arith.constant 9.99999974E-6 : f32
    %add3A_26 = vector.broadcast %add3A_25 : f32 to vector<512x64xf32>
    %add3A_27 = arith.addf %sqrt3A, %add3A_26 : vector<512x64xf32>
    %div3A = arith.divf %sub3A_21, %add3A_27 : vector<512x64xf32>
    %abs3A = math.absf %div3A : vector<512x64xf32>
    %mul3A_28 = arith.constant -0.0012624911 : f32
    %mul3A_29 = vector.broadcast %mul3A_28 : f32 to vector<512x64xf32>
    %mul3A_30 = arith.mulf %mul3A_29, %abs3A : vector<512x64xf32>
    %add3A_31 = arith.constant 6.670090e-03 : f32
    %add3A_32 = vector.broadcast %add3A_31 : f32 to vector<512x64xf32>
    %add3A_33 = arith.addf %mul3A_30, %add3A_32 : vector<512x64xf32>
    %mul3A_34 = arith.mulf %add3A_33, %abs3A : vector<512x64xf32>
    %add3A_35 = arith.constant -0.0170881264 : f32
    %add3A_36 = vector.broadcast %add3A_35 : f32 to vector<512x64xf32>
    %add3A_37 = arith.addf %mul3A_34, %add3A_36 : vector<512x64xf32>
    %mul3A_38 = arith.mulf %add3A_37, %abs3A : vector<512x64xf32>
    %add3A_39 = arith.constant 0.0308918804 : f32
    %add3A_40 = vector.broadcast %add3A_39 : f32 to vector<512x64xf32>
    %add3A_41 = arith.addf %mul3A_38, %add3A_40 : vector<512x64xf32>
    %mul3A_42 = arith.mulf %add3A_41, %abs3A : vector<512x64xf32>
    %add3A_43 = arith.constant -0.0501743034 : f32
    %add3A_44 = vector.broadcast %add3A_43 : f32 to vector<512x64xf32>
    %add3A_45 = arith.addf %mul3A_42, %add3A_44 : vector<512x64xf32>
    %mul3A_46 = arith.mulf %add3A_45, %abs3A : vector<512x64xf32>
    %add3A_47 = arith.constant 0.0889789909 : f32
    %add3A_48 = vector.broadcast %add3A_47 : f32 to vector<512x64xf32>
    %add3A_49 = arith.addf %mul3A_46, %add3A_48 : vector<512x64xf32>
    %mul3A_50 = arith.mulf %add3A_49, %abs3A : vector<512x64xf32>
    %add3A_51 = arith.constant -0.214598805 : f32
    %add3A_52 = vector.broadcast %add3A_51 : f32 to vector<512x64xf32>
    %add3A_53 = arith.addf %mul3A_50, %add3A_52 : vector<512x64xf32>
    %mul3A_54 = arith.mulf %add3A_53, %abs3A : vector<512x64xf32>
    %add3A_55 = arith.constant 1.57079625 : f32
    %add3A_56 = vector.broadcast %add3A_55 : f32 to vector<512x64xf32>
    %add3A_57 = arith.addf %mul3A_54, %add3A_56 : vector<512x64xf32>
    %sub3A_58 = arith.constant 1.000000e+00 : f32
    %sub3A_59 = vector.broadcast %sub3A_58 : f32 to vector<512x64xf32>
    %sub3A_60 = arith.subf %sub3A_59, %abs3A : vector<512x64xf32>
    %max3A = arith.constant 0.000000e+00 : f32
    %max3A_61 = vector.broadcast %max3A : f32 to vector<512x64xf32>
    %max3A_62 = arith.maximumf %sub3A_60, %max3A_61 : vector<512x64xf32>
    %sqrt3A_63 = math.sqrt %max3A_62 : vector<512x64xf32>
    %mul3A_64 = arith.mulf %sqrt3A_63, %add3A_57 : vector<512x64xf32>
    %lt3A = arith.constant 0.000000e+00 : f32
    %lt3A_65 = vector.broadcast %lt3A : f32 to vector<512x64xf32>
    %lt3A_66 = arith.cmpf olt, %div3A, %lt3A_65 : vector<512x64xf32>
    %sub3A_67 = arith.constant 3.14159274 : f32
    %sub3A_68 = vector.broadcast %sub3A_67 : f32 to vector<512x64xf32>
    %sub3A_69 = arith.subf %sub3A_68, %mul3A_64 : vector<512x64xf32>
    %select_n3A = arith.select %lt3A_66, %sub3A_69, %mul3A_64 : vector<512x64xi1>, vector<512x64xf32>
    %mul3A_70 = arith.mulf %div3A, %div3A : vector<512x64xf32>
    %sub3A_71 = arith.constant 1.000000e+00 : f32
    %sub3A_72 = vector.broadcast %sub3A_71 : f32 to vector<512x64xf32>
    %sub3A_73 = arith.subf %sub3A_72, %mul3A_70 : vector<512x64xf32>
    %max3A_74 = arith.constant 0.000000e+00 : f32
    %max3A_75 = vector.broadcast %max3A_74 : f32 to vector<512x64xf32>
    %max3A_76 = arith.maximumf %sub3A_73, %max3A_75 : vector<512x64xf32>
    %sqrt3A_77 = math.sqrt %max3A_76 : vector<512x64xf32>
    %mul3A_78 = arith.mulf %sqrt3A, %sqrt3A_77 : vector<512x64xf32>
    %add3A_79 = arith.constant 9.99999974E-6 : f32
    %add3A_80 = vector.broadcast %add3A_79 : f32 to vector<512x64xf32>
    %add3A_81 = arith.addf %mul3A_78, %add3A_80 : vector<512x64xf32>
    %div3A_82 = arith.divf %sub3A_5, %add3A_81 : vector<512x64xf32>
    %abs3A_83 = math.absf %div3A_82 : vector<512x64xf32>
    %mul3A_84 = arith.constant -0.0012624911 : f32
    %mul3A_85 = vector.broadcast %mul3A_84 : f32 to vector<512x64xf32>
    %mul3A_86 = arith.mulf %mul3A_85, %abs3A_83 : vector<512x64xf32>
    %add3A_87 = arith.constant 6.670090e-03 : f32
    %add3A_88 = vector.broadcast %add3A_87 : f32 to vector<512x64xf32>
    %add3A_89 = arith.addf %mul3A_86, %add3A_88 : vector<512x64xf32>
    %mul3A_90 = arith.mulf %add3A_89, %abs3A_83 : vector<512x64xf32>
    %add3A_91 = arith.constant -0.0170881264 : f32
    %add3A_92 = vector.broadcast %add3A_91 : f32 to vector<512x64xf32>
    %add3A_93 = arith.addf %mul3A_90, %add3A_92 : vector<512x64xf32>
    %mul3A_94 = arith.mulf %add3A_93, %abs3A_83 : vector<512x64xf32>
    %add3A_95 = arith.constant 0.0308918804 : f32
    %add3A_96 = vector.broadcast %add3A_95 : f32 to vector<512x64xf32>
    %add3A_97 = arith.addf %mul3A_94, %add3A_96 : vector<512x64xf32>
    %mul3A_98 = arith.mulf %add3A_97, %abs3A_83 : vector<512x64xf32>
    %add3A_99 = arith.constant -0.0501743034 : f32
    %add3A_100 = vector.broadcast %add3A_99 : f32 to vector<512x64xf32>
    %add3A_101 = arith.addf %mul3A_98, %add3A_100 : vector<512x64xf32>
    %mul3A_102 = arith.mulf %add3A_101, %abs3A_83 : vector<512x64xf32>
    %add3A_103 = arith.constant 0.0889789909 : f32
    %add3A_104 = vector.broadcast %add3A_103 : f32 to vector<512x64xf32>
    %add3A_105 = arith.addf %mul3A_102, %add3A_104 : vector<512x64xf32>
    %mul3A_106 = arith.mulf %add3A_105, %abs3A_83 : vector<512x64xf32>
    %add3A_107 = arith.constant -0.214598805 : f32
    %add3A_108 = vector.broadcast %add3A_107 : f32 to vector<512x64xf32>
    %add3A_109 = arith.addf %mul3A_106, %add3A_108 : vector<512x64xf32>
    %mul3A_110 = arith.mulf %add3A_109, %abs3A_83 : vector<512x64xf32>
    %add3A_111 = arith.constant 1.57079625 : f32
    %add3A_112 = vector.broadcast %add3A_111 : f32 to vector<512x64xf32>
    %add3A_113 = arith.addf %mul3A_110, %add3A_112 : vector<512x64xf32>
    %sub3A_114 = arith.constant 1.000000e+00 : f32
    %sub3A_115 = vector.broadcast %sub3A_114 : f32 to vector<512x64xf32>
    %sub3A_116 = arith.subf %sub3A_115, %abs3A_83 : vector<512x64xf32>
    %max3A_117 = arith.constant 0.000000e+00 : f32
    %max3A_118 = vector.broadcast %max3A_117 : f32 to vector<512x64xf32>
    %max3A_119 = arith.maximumf %sub3A_116, %max3A_118 : vector<512x64xf32>
    %sqrt3A_120 = math.sqrt %max3A_119 : vector<512x64xf32>
    %mul3A_121 = arith.mulf %sqrt3A_120, %add3A_113 : vector<512x64xf32>
    %lt3A_122 = arith.constant 0.000000e+00 : f32
    %lt3A_123 = vector.broadcast %lt3A_122 : f32 to vector<512x64xf32>
    %lt3A_124 = arith.cmpf olt, %div3A_82, %lt3A_123 : vector<512x64xf32>
    %sub3A_125 = arith.constant 3.14159274 : f32
    %sub3A_126 = vector.broadcast %sub3A_125 : f32 to vector<512x64xf32>
    %sub3A_127 = arith.subf %sub3A_126, %mul3A_121 : vector<512x64xf32>
    %select_n3A_128 = arith.select %lt3A_124, %sub3A_127, %mul3A_121 : vector<512x64xi1>, vector<512x64xf32>
    %lt3A_129 = arith.constant 0.000000e+00 : f32
    %lt3A_130 = vector.broadcast %lt3A_129 : f32 to vector<512x64xf32>
    %lt3A_131 = arith.cmpf olt, %sub3A_13, %lt3A_130 : vector<512x64xf32>
    %sub3A_132 = arith.constant 6.28318548 : f32
    %sub3A_133 = vector.broadcast %sub3A_132 : f32 to vector<512x64xf32>
    %sub3A_134 = arith.subf %sub3A_133, %select_n3A_128 : vector<512x64xf32>
    %select_n3A_135 = arith.select %lt3A_131, %sub3A_134, %select_n3A_128 : vector<512x64xi1>, vector<512x64xf32>
    %swap3A = arith.constant 0 : index
    %swap3A_136 = arith.constant 0 : index
    %swap3A_137 = vector.load %arg6[%swap3A, %swap3A_136] : memref<512x64xf32, #tpu.memory_space<vmem>>, vector<512x64xf32>
    tpu.vector_store %arg6[%swap3A, %swap3A_136], %sqrt3A {strides = array<i32>} : memref<512x64xf32, #tpu.memory_space<vmem>>, vector<512x64xf32>,
    %swap3A_138 = arith.constant 0 : index
    %swap3A_139 = arith.constant 0 : index
    %swap3A_140 = vector.load %arg7[%swap3A_138, %swap3A_139] : memref<512x64xf32, #tpu.memory_space<vmem>>, vector<512x64xf32>
    tpu.vector_store %arg7[%swap3A_138, %swap3A_139], %select_n3A {strides = array<i32>} : memref<512x64xf32, #tpu.memory_space<vmem>>, vector<512x64xf32>,
    %swap3A_141 = arith.constant 0 : index
    %swap3A_142 = arith.constant 0 : index
    %swap3A_143 = vector.load %arg8[%swap3A_141, %swap3A_142] : memref<512x64xf32, #tpu.memory_space<vmem>>, vector<512x64xf32>
    tpu.vector_store %arg8[%swap3A_141, %swap3A_142], %select_n3A_135 {strides = array<i32>} : memref<512x64xf32, #tpu.memory_space<vmem>>, vector<512x64xf32>,
    %get3A_144 = arith.constant 0 : index
    %get3A_145 = arith.constant 0 : index
    %get3A_146 = vector.load %arg5[%get3A_144, %get3A_145] : memref<512x64xf32, #tpu.memory_space<vmem>>, vector<512x64xf32>
    %ge3A = arith.constant 1.000000e+08 : f32
    %ge3A_147 = vector.broadcast %ge3A : f32 to vector<512x64xf32>
    %ge3A_148 = arith.cmpf oge, %get3A_146, %ge3A_147 : vector<512x64xf32>
    %convert_element_type3A = arith.extui %ge3A_148 : vector<512x64xi1> to vector<512x64xi32>
    %swap3A_149 = arith.constant 0 : index
    %swap3A_150 = arith.constant 0 : index
    %swap3A_151 = vector.load %arg9[%swap3A_149, %swap3A_150] : memref<512x64xi32, #tpu.memory_space<vmem>>, vector<512x64xi32>
    tpu.vector_store %arg9[%swap3A_149, %swap3A_150], %convert_element_type3A {strides = array<i32>} : memref<512x64xi32, #tpu.memory_space<vmem>>, vector<512x64xi32>,
    return
  }
  func.func @transform_0(%arg0: i32) -> (i32, i32) {
    %c0_i32 = arith.constant 0 : i32
    %c0_i32_0 = arith.constant 0 : i32
    %c0_i32_1 = arith.constant 0 : i32
    return %c0_i32, %c0_i32_0 : i32, i32
  }
  func.func @transform_1(%arg0: i32) -> (i32, i32) {
    %c0_i32 = arith.constant 0 : i32
    %c0_i32_0 = arith.constant 0 : i32
    %c0_i32_1 = arith.constant 0 : i32
    return %c0_i32, %c0_i32_0 : i32, i32
  }
  func.func @transform_2(%arg0: i32) -> (i32, i32) {
    %c0_i32 = arith.constant 0 : i32
    %c0_i32_0 = arith.constant 0 : i32
    %c0_i32_1 = arith.constant 0 : i32
    return %c0_i32, %c0_i32_0 : i32, i32
  }
  func.func @transform_3(%arg0: i32) -> (i32, i32) {
    %c0_i32 = arith.constant 0 : i32
    %c0_i32_0 = arith.constant 0 : i32
    %c0_i32_1 = arith.constant 0 : i32
    return %c0_i32, %c0_i32_0 : i32, i32
  }
  func.func @transform_4(%arg0: i32) -> (i32, i32) {
    %c0_i32 = arith.constant 0 : i32
    %c0_i32_0 = arith.constant 0 : i32
    %c0_i32_1 = arith.constant 0 : i32
    return %c0_i32, %c0_i32_0 : i32, i32
  }
  func.func @transform_5(%arg0: i32) -> (i32, i32) {
    %c0_i32 = arith.constant 0 : i32
    %c0_i32_0 = arith.constant 0 : i32
    %c0_i32_1 = arith.constant 0 : i32
    return %c0_i32, %c0_i32_0 : i32, i32
  }
  func.func @transform_6(%arg0: i32) -> (i32, i32) {
    %c0_i32 = arith.constant 0 : i32
    %c0_i32_0 = arith.constant 0 : i32
    %c0_i32_1 = arith.constant 0 : i32
    return %c0_i32, %c0_i32_0 : i32, i32
  }
  func.func @transform_7(%arg0: i32) -> (i32, i32) {
    %c0_i32 = arith.constant 0 : i32
    %c0_i32_0 = arith.constant 0 : i32
    %c0_i32_1 = arith.constant 0 : i32
    return %c0_i32, %c0_i32_0 : i32, i32
  }
  func.func @transform_8(%arg0: i32) -> (i32, i32) {
    %c0_i32 = arith.constant 0 : i32
    %c0_i32_0 = arith.constant 0 : i32
    %c0_i32_1 = arith.constant 0 : i32
    return %c0_i32, %c0_i32_0 : i32, i32
  }
}

</mosaic_0001>

<sc_bundles>
// kernel: kernel.5.cloned.1.call-start
scs
__scs_entry_jumppad:
0x0: {  	(pc) =	sbr.rel $0x88, $3  }
0x1: {  	(tag) =	ssettag $0x0;
	lr =	simm.s32 $0x1  }
0x2: {  	[smem:$0x3F9E] =	sst lr;
	_ =	strace $0xD0000000  }
0x3: {  	_ = 	snop  }
0x4: {  	_ = 	snop  }
0x5: {  	_ = 	snop  }
0x6: {  	_ = 	snop  }
0x7: {  	_ = 	snop  }
__scs_overlays_trampoline_lowered:
0x8: {  	[smem:$0x3FAD] =	sst s0  }
0x9: {  	[smem:$0x3FAE] =	sst s1  }
0xa: {  	[smem:$0x3FAF] =	sst s2  }
0xb: {  	[smem:$0x3FB0] =	sst s3  }
0xc: {  	[smem:$0x3FB1] =	sst s4  }
0xd: {  	[smem:$0x3FB2] =	sst s5  }
0xe: {  	[smem:$0x3FB3] =	sst s6  }
0xf: {  	[smem:$0x3FB4] =	sst s7  }
0x10: {  	[smem:$0x3FB5] =	sst s8  }
0x11: {  	[smem:$0x3FB6] =	sst s9;
	s0 =	simm.s32 @!p0 $0x0  }
0x12: {  	s1 =	sld [smem:$0x3F9C];
	s0 =	simm.s32 @p0 $0x1  }
0x13: {  	[smem:$0x3FB7] =	sst s0;
	s0 =	simm.s32 @!p1 $0x0  }
0x14: {  	s2 =	sld [smem:$0x3F9B];
	s0 =	simm.s32 @p1 $0x1  }
0x15: {  	[smem:$0x3FB8] =	sst s0;
	s0 =	simm.s32 @!p2 $0x0  }
0x16: {  	s3 =	sld [smem:$0x3FDB];
	s0 =	simm.s32 @p2 $0x1  }
0x17: {  	s4 =	simm.s32 $0x1BF5;
	[smem:$0x3FBA] =	sst s0  }
0x18: {  	s0 =	sld [smem:$0x3F9D];
	_ =	swait.ge [sflag:s4], $0x0  }
0x19: {  	s7 =	sld [smem:$0x3F9E]  }
0x1a: {  	s8 =	sadd.s32 $0xFFFFE003, lr  }
0x1b: {  	s9 =	sadd.s32 $0xFFFFFEF7, lr;
	s5 =	simm.s32 $0xFFFFFFFF;
	p2 =	slt.u32 s8, $0xFFFFF086  }
0x1c: {  	p1 =	slt.u32 s9, $0xF7A;
	s5 =	simm.s32 @!p2 $0x0  }
0x1d: {  	s5 =	simm.s32 @p1 $0x1;
	p0 =	seq.s32 s7, s2  }
0x1e: {  	s7 =	smul.u32 @!p0 $0xF7A, s2;
	p2 =	seq.s32 @!p0 s5, $0x0  }
0x1f: {  	s9 =	smul.u32 $0xF7A, s1;
	s8 =	simm.s32 @!p0 $0x1BF5;
	p2 =	por !p2, p0  }
0x20: {  	[sflag:s8] =	ssyncset.s32 @!p0 $0xFFFFF086;
	s6 =	sadd.s32 @!p0 s3, s7;
	s7 =	simm.s32 @!p0 $0x108  }
0x21: {  	s3 =	sadd.s32 s3, s9;
	s6 =	sadd.s32 @!p0 $0x88, s6;
	s7 =	simm.s32 @p2 $0x1082  }
0x22: {  	[simem:s7], [sflag:s8] =	dma.local @!p0 [hbm:s6], $0xF7A  }
0x23: {  	s9 =	sor.u32 $0xD0000000, s2;
	s6 =	simm.s32 $0x108;
	_ =	swait.ge @!p0 [sflag:s8], $0x0  }
0x24: {  	s3 =	sadd.s32 $0x88, s3;
	s6 =	simm.s32 @!p1 $0x1082;
	[sflag:s4] =	ssyncset.s32 $0xFFFFF086  }
0x25: {  	[simem:s6], [sflag:s4] =	dma.local [hbm:s3], $0xF7A  }
0x26: {  	[smem:$0x3F9E] =	sst s1;
	(tag) =	ssettag s2;
	_ =	strace s9  }
0x27: {  	s1 =	sld [smem:$0x3FAE]  }
0x28: {  	s2 =	sld [smem:$0x3FAF]  }
0x29: {  	s4 =	sld [smem:$0x3FB1]  }
0x2a: {  	p0 =	seq.s32 s5, $0x0;
	s5 =	sld [smem:$0x3FB2]  }
0x2b: {  	s6 =	sld [smem:$0x3FB3]  }
0x2c: {  	s7 =	sld [smem:$0x3FB4]  }
0x2d: {  	s3 =	simm.s32 $0x108;
	s8 =	sld [smem:$0x3FB5]  }
0x2e: {  	s3 =	simm.s32 @!p0 $0x1082;
	s9 =	sld [smem:$0x3FB6]  }
0x2f: {  	lr =	sadd.s32 s0, s3;
	s0 =	sld [smem:$0x3FAD]  }
0x30: {  	s3 =	sld [smem:$0x3FB0]  }
0x31: {  	[smem:$0x3FB9] =	sst s10  }
0x32: {  	s10 =	sld [smem:$0x3FB7];
	_ =	sdelay $0x3  }
0x33: {  	p0 =	seq.s32 s10, $0x1;
	s10 =	sld [smem:$0x3FB9];
	_ =	sdelay $0x3  }
0x34: {  	[smem:$0x3FB9] =	sst s10  }
0x35: {  	s10 =	sld [smem:$0x3FB8];
	_ =	sdelay $0x3  }
0x36: {  	p1 =	seq.s32 s10, $0x1;
	s10 =	sld [smem:$0x3FB9];
	_ =	sdelay $0x3  }
0x37: {  	[smem:$0x3FB9] =	sst s10  }
0x38: {  	s10 =	sld [smem:$0x3FBA]  }
0x39: {  	_ = 	snop;
	(pc) =	sbr.ind lr, $3  }
0x3a: {  	_ = 	snop  }
0x3b: {  	_ = 	snop  }
0x3c: {  	p2 =	seq.s32 s10, $0x1;
	s10 =	sld [smem:$0x3FB9]  }
0x3d: {  	_ =	shalt  }
0x3e: {  	_ =	shalt  }
0x3f: {  	_ =	shalt  }
0x40: {  	_ =	shalt  }
0x41: {  	_ =	shalt  }
0x42: {  	_ =	shalt  }
0x43: {  	_ =	shalt  }
0x44: {  	_ =	shalt  }
0x45: {  	_ =	shalt  }
0x46: {  	_ =	shalt  }
0x47: {  	_ =	shalt  }
0x48: {  	_ =	shalt  }
0x49: {  	_ =	shalt  }
0x4a: {  	_ =	shalt  }
0x4b: {  	_ =	shalt  }
0x4c: {  	_ =	shalt  }
0x4d: {  	_ =	shalt  }
0x4e: {  	_ =	shalt  }
0x4f: {  	_ =	shalt  }
0x50: {  	_ =	shalt  }
0x51: {  	_ =	shalt  }
0x52: {  	_ =	shalt  }
0x53: {  	_ =	shalt  }
0x54: {  	_ =	shalt  }
0x55: {  	_ =	shalt  }
0x56: {  	_ =	shalt  }
0x57: {  	_ =	shalt  }
0x58: {  	_ =	shalt  }
0x59: {  	_ =	shalt  }
0x5a: {  	_ =	shalt  }
0x5b: {  	_ =	shalt  }
0x5c: {  	_ =	shalt  }
0x5d: {  	_ =	shalt  }
0x5e: {  	_ =	shalt  }
0x5f: {  	_ =	shalt  }
0x60: {  	_ =	shalt  }
0x61: {  	_ =	shalt  }
0x62: {  	_ =	shalt  }
0x63: {  	_ =	shalt  }
0x64: {  	_ =	shalt  }
0x65: {  	_ =	shalt  }
0x66: {  	_ =	shalt  }
0x67: {  	_ =	shalt  }
0x68: {  	_ =	shalt  }
0x69: {  	_ =	shalt  }
0x6a: {  	_ =	shalt  }
0x6b: {  	_ =	shalt  }
0x6c: {  	_ =	shalt  }
0x6d: {  	_ =	shalt  }
0x6e: {  	_ =	shalt  }
0x6f: {  	_ =	shalt  }
0x70: {  	_ =	shalt  }
0x71: {  	_ =	shalt  }
0x72: {  	_ =	shalt  }
0x73: {  	_ =	shalt  }
0x74: {  	_ =	shalt  }
0x75: {  	_ =	shalt  }
0x76: {  	_ =	shalt  }
0x77: {  	_ =	shalt  }
0x78: {  	_ =	shalt  }
0x79: {  	_ =	shalt  }
0x7a: {  	_ =	shalt  }
0x7b: {  	_ =	shalt  }
0x7c: {  	_ =	shalt  }
0x7d: {  	_ =	shalt  }
0x7e: {  	_ =	shalt  }
0x7f: {  	_ =	shalt  }
0x80: {  	_ =	shalt  }
0x81: {  	_ =	shalt  }
0x82: {  	_ =	shalt  }
0x83: {  	_ =	shalt  }
0x84: {  	_ =	shalt  }
0x85: {  	_ =	shalt  }
0x86: {  	_ =	shalt  }
0x87: {  	_ =	shalt  }
.Lfunc_end0:
.L_simem_size_0:
called_computation_lowered:
.L_overlay_start_0:
0x88: {  	s2 =	sld [smem:$0x3FD9]  }
0x89: {  	s3 =	sld [smem:$0x3FFE];
	_ =	sdelay $0x1  }
0x8a: {  	s1 =	srdreg.scid  }
0x8b: {  	s0 =	sand.u32 $0x1, s1  }
0x8c: {  	s14 =	sshll.u32 s0, $0xA;
	s2 =	sadd.s32 s3, s2  }
0x8d: {  	s2 =	sadd.s32 s2, s14  }
0x8e: {  	[smem:$0x3FC5] =	sst s2  }
0x8f: {  	_ = 	snop  }
0x90: {  	s2 =	sld [smem:$0x3FD0];
	_ =	sdelay $0x2  }
0x91: {  	s15 =	simm.s32 $0xA;
	s4 =	simm.s32 $0x10  }
0x92: {  	[smem:s4], [sflag:s15] =	dma.local [hbm:s2], $0x1  }
0x93: {  	_ =	swait.eq [sflag:s15], $0x1  }
0x94: {  	[sflag:s15] =	ssyncset.done $0x0  }
0x95: {  	[sflag:s15] =	ssyncadd.s32 $0xFFFFFFFF  }
0x96: {  	s16 =	sld [smem:$0x15];
	(tm) =	ssettm $0x1  }
0x97: {  	s17 =	sld [smem:$0x3FFB];
	_ =	sdelay $0x3  }
0x98: {  	_ =	strace s17  }
0x99: {  	s3 =	sld [smem:$0x3FFC];
	_ =	sdelay $0x3  }
0x9a: {  	_ =	strace s3  }
0x9b: {  	s3 =	sld [smem:$0x3FFD];
	_ =	sdelay $0x3  }
0x9c: {  	_ =	strace s3  }
0x9d: {  	_ =	strace $0x8FFFFFFF  }
0x9e: {  	s18 =	sld [smem:$0x3FDB];
	_ =	sdelay $0x1  }
0x9f: {  	s19 =	simm.s32 $_scs_section_size  }
0xa0: {  	s5 =	simm.s32 $_size__tile_overlayer_lowered;
	s6 =	simm.s32 $_tile_overlayer_lowered  }
0xa1: {  	s22 =	simm.s32 $0x1BFF;
	s21 =	sshll.u32 s6, $0x1;
	s3 =	sadd.s32 s19, s18  }
0xa2: {  	s7 =	simm.s32 $0x0;
	s20 =	sshll.u32 s5, $0x1;
	s5 =	sadd.s32 s21, s3  }
0xa3: {  	[timem:s7], [sflag:s22] =	dma.local [hbm:s5], s20  }
0xa4: {  	_ =	swait.ge [sflag:s22], s20  }
0xa5: {  	s4 =	ssub.s32 $0x0, s20;
	[sflag:s22] =	ssyncset.done $0x0  }
0xa6: {  	[sflag:s22] =	ssyncadd.s32 s4;
	_ =	sdelay $0x1  }
0xa7: {  	s23 =	simm.s32 $0x1B8B  }
0xa8: {  	_ =	swait.ge [sflag:s23], $0x1  }
0xa9: {  	[sflag:s23] =	ssyncset.done $0x0  }
0xaa: {  	s25 =	simm.s32 $0x1B8E;
	s24 =	sld [smem:$0x3FFE];
	[sflag:s23] =	ssyncadd.s32 $0xFFFFFFFF  }
0xab: {  	s26 =	simm.s32 $execute0_lowered;
	[smem:$0x3FD2] =	sst s25  }
0xac: {  	s5 =	sshll.u32 s26, $0x1;
	_ =	strace $0x80000046;
	[dreg:$0x1] =	wrdreg $0xFFFFFFFF  }
0xad: {  	s28 =	simm.s32 $_size_execute0_lowered;
	s3 =	sadd.s32 s3, s5;
	[dreg:$0x0] =	wrdreg $0x0  }
0xae: {  	s5 =	sshll.u32 s28, $0x1;
	[dreg:$0x2] =	wrdreg s3  }
0xaf: {  	[dreg:$0x3] =	wrdreg s5  }
0xb0: {  	[dreg:$0x4] =	wrdreg $0xC0  }
0xb1: {  	_ =	task [dreg:s7], $0x5FFFF  }
0xb2: {  	[dreg:$0x1] =	wrdreg $0xFFFFFFFF  }
0xb3: {  	[dreg:$0x0] =	wrdreg $0x60  }
0xb4: {  	[dreg:$0x2] =	wrdreg s24  }
0xb5: {  	[dreg:$0x3] =	wrdreg s16  }
0xb6: {  	[dreg:$0x4] =	wrdreg $0x9  }
0xb7: {  	_ =	task.clear_ibuf [dreg:s7], $0x5FFFF;
	_ =	strace $0x90000046  }
0xb8: {  	s29 =	simm.s32 $0x9;
	_ =	strace $0x80000048  }
0xb9: {  	_ =	swait.ge [sflag:s29], $0x1  }
0xba: {  	[sflag:s29] =	ssyncadd.s32 $0xFFFFFFFF  }
0xbb: {  	_ =	strace $0x90000048  }
0xbc: {  	_ =	sfence  }
0xbd: {  	s30 =	sld [smem:$0x0];
	_ =	sdelay $0x2  }
0xbe: {  	s31 =	sshll.u32 s1, $0xD;
	s1 =	sshrl.u32 s1, $0x2  }
0xbf: {  	s3 =	sand.u32 $0x4000, s31;
	s1 =	sadd.s32 s1, s30  }
0xc0: {  	s0 =	sor.u32 s3, s0;
	s1 =	sshll.u32 s1, $0x11  }
0xc1: {  	s0 =	sor.u32 s1, s0  }
0xc2: {  	s0 =	sadd.s32 $0x8F2B, s0  }
0xc3: {  	[sflag:s0] =	ssyncadd.remote.s32 $0x1  }
0xc4: {  	_ =	sfence.sel $0xFFFF  }
0xc5: {  	[dreg:$0x0] =	wrdreg $0xFFFFFFFF;
	(pc) =	sbr.abs _section_cstart, $3  }
0xc6: {  	[dreg:$0x1] =	wrdreg $0xFFFFFFFF  }
0xc7: {  	_ =	task.clear_ibuf [dreg:s7], $0x2FFFF;
	_ =	strace $0x9FFFFFFF  }
0xc8: {  	(tm) =	ssettm $0x7FFFFFFF  }
0xc9: {  	_ =	shalt  }
tec
execute0_lowered:
.L_overlay_start_1:
0x0: {  	(tag) =	ssettag $0x1  }
0x1: {  	s1 =	srdreg.scid  }
0x2: {  	s8 =	rddreg [dreg:$0x0];
	s0 =	stileid.u32  }
0x3: {  	s3 =	rddreg [dreg:$0x1];
	s2 =	simm.s32 $0x0;
	s6 =	sand.u32 $0x1, s1  }
0x4: {  	s4 =	sshll.u32 s0, $0xB;
	s1 =	rddreg [dreg:$0x2];
	s5 =	sshll.u32 s6, $0xA  }
0x5: {  	s7 =	simm.s32 $0x1;
	[smem:$0x7FF] =	sst s2;
	s9 =	sor.u32 s5, s4  }
0x6: {  	_ =	strace $0x80000047;
	s10 =	ssub.s32 $0x2, s6;
	s4 =	sshrl.u32 s9, $0x3  }
0x7: {  	s6 =	simm.s32 $0x400;
	s4 =	sadd.s32 s3, s4;
	s3 =	simm.s32 $0x2  }
0x8: {  	[tilespmem:s2], [sflag:$0x2] =	stream.linear.gather [hbm4b:s4+s2], $0x400, $0x38;
	[tilespmem:$0x4400] =	vst v63  }
0x9: {  	s5 =	sadd.s32 $0x1C00, s8;
	s11 =	sshrl.u32 s10, $0x1;
	_ =	swait.ge [sflag:s3], $0x400  }
0xa: {  	s9 =	sshll.u32 s9, $0x1;
	s31 =	ssub.s32 s10, s11;
	[sflag:s3] =	ssyncset.done $0x0  }
0xb: {  	s8 =	sadd.s32 s9, s8;
	s9 =	smax.u32 s31, $0x1;
	[sflag:s3] =	ssyncadd.s32 $0xFFFFFC00  }
0xc: {  	[tilespmem:s6], [sflag:$0x1] =	stream.indirect.gather [hbm4b:s5+s6], $0x10, s2, s6, $0xb8;
	[tilespmem:$0x4400] =	vst v63  }
0xd: {  	p0 =	sne.s32 s9, $0x1;
	_ =	swait.ge [sflag:s7], $0x4000  }
.Ltmp0:
0xe: {  	[sflag:s7] =	ssyncset.done $0x0;
	(pc) =	sbr.rel @!p0 .LBB2_2-.Ltmp0, $4  }
0xf: {  	s8 =	sadd.s32 $0x6C00, s8;
	[sflag:s7] =	ssyncadd.s32 $0xFFFFC000  }
0x10: {  	[hbm4b:s8+s2] =	stream.linear.scatter [tilespmem:s6], [sflag:$0x2], $0x4000, $0x38;
	[tilespmem:$0x4400] =	vst v63  }
0x11: {  	_ =	swait.ge [sflag:s3], $0x4000  }
0x12: {  	s9 =	sadd.s32 $0xFFFFFFFF, s9;
	[sflag:s3] =	ssyncset.done $0x0  }
.LBB2_1:
0x13: {  	p0 =	sne.s32 s9, $0x1;
	s9 =	sadd.s32 $0xFFFFFFFF, s9;
	[sflag:s3] =	ssyncadd.s32 $0xFFFFC000  }
0x14: {  	[tilespmem:s2], [sflag:$0x2] =	stream.linear.gather [hbm4b:s4+s2], $0x400, $0x38;
	[tilespmem:$0x4400] =	vst v63  }
0x15: {  	_ =	swait.ge [sflag:s3], $0x400  }
0x16: {  	[sflag:s3] =	ssyncset.done $0x0  }
0x17: {  	[sflag:s3] =	ssyncadd.s32 $0xFFFFFC00  }
0x18: {  	[tilespmem:s6], [sflag:$0x1] =	stream.indirect.gather [hbm4b:s5+s6], $0x10, s2, s6, $0xb8;
	[tilespmem:$0x4400] =	vst v63  }
0x19: {  	_ =	swait.ge [sflag:s7], $0x4000  }
.Ltmp1:
0x1a: {  	[sflag:s7] =	ssyncset.done $0x0;
	(pc) =	sbr.rel @p0 .LBB2_1-.Ltmp1, $4  }
0x1b: {  	[sflag:s7] =	ssyncadd.s32 $0xFFFFC000  }
0x1c: {  	[hbm4b:s8+s2] =	stream.linear.scatter [tilespmem:s6], [sflag:$0x2], $0x4000, $0x38;
	[tilespmem:$0x4400] =	vst v63  }
0x1d: {  	_ =	swait.ge [sflag:s3], $0x4000  }
0x1e: {  	[sflag:s3] =	ssyncset.done $0x0  }
.LBB2_2:
0x1f: {  	[sflag:s3] =	ssyncadd.s32 $0xFFFFC000  }
0x20: {  	_ =	sfence.sel $0x180000  }
0x21: {  	[bflag:$0x0] =	sbarrier.arrive $0xFFFF  }
0x22: {  	p0 =	sne.s32 s0, $0x0;
	_ =	strace $0x90000047  }
0x23: {  	s0 =	sadd.s32 @!p0 $0x100000, s1;
	[bflag:$0x2] =	sbarrier.arrive $0xFFFF  }
0x24: {  	[sflag:s0] =	ssyncadd.tile.s32 @!p0 $0x1;
	_ =	shalt  }
.Lfunc_end2:
_tile_overlayer_lowered:
.L_overlay_start_2:
0x25: {  	(tag) =	ssettag $0x2  }
0x26: {  	s0 =	rddreg [dreg:$0x0];
	s2 =	stileid.u32  }
0x27: {  	s1 =	rddreg [dreg:$0x1];
	p0 =	sne.s32 s2, $0x0  }
0x28: {  	s3 =	rddreg [dreg:$0x2];
	[bflag:$0x3] =	sbarrier.arrive $0xFFFF;
	s2 =	simm.s32 @!p0 $0x1C02  }
0x29: {  	[timem:s3], [sflag:s2] =	dma.local @!p0 [hbm:s0], s1  }
0x2a: {  	s0 =	simm.s32 @!p0 $0x2  }
0x2b: {  	_ =	swait.ge @!p0 [sflag:s0], s1  }
0x2c: {  	s1 =	ssub.s32 @!p0 $0x0, s1;
	[sflag:s0] =	ssyncset.done @!p0 $0x0  }
0x2d: {  	[sflag:s0] =	ssyncadd.s32 @!p0 s1  }
0x2e: {  	[bflag:$0x3] =	sbarrier.arrive $0xFFFF  }
0x2f: {  	_ =	shalt  }

</sc_bundles>
